<compile_context>
chip_gen: v7x
topology: tpu7x:2x2x1
jax: 0.10.2.dev20260603
libtpu: 0.0.44.dev20260713+nightly
codegen_flags: <defaults>
</compile_context>

<pallas_src>
import functools

import jax
import jax.numpy as jnp
from jax import lax
from jax.experimental import pallas as pl
from jax.experimental.pallas import tpu as pltpu
from jax.experimental.pallas import tpu_sc as plsc

D_FEAT = 6
T = 60
H = 64
K = 3
BR = 256


def _leaky(v):
    return jnp.where(v >= 0.0, v, 0.01 * v)


def _eye(n):
    r = lax.broadcasted_iota(jnp.int32, (n, n), 0)
    c = lax.broadcasted_iota(jnp.int32, (n, n), 1)
    return (r == c).astype(jnp.float32)


def _dot(a, b, ca, cb):
    return lax.dot_general(a, b, (((ca,), (cb,)), ((), ())),
                           precision=lax.Precision.HIGHEST,
                           preferred_element_type=jnp.float32)


def _bdot(a, b, ca, cb):
    return lax.dot_general(a.astype(jnp.bfloat16), b.astype(jnp.bfloat16),
                           (((ca,), (cb,)), ((), ())),
                           preferred_element_type=jnp.float32)


def _br(v):
    return v.astype(jnp.bfloat16).astype(jnp.float32)


def _encode_body(xt_ref, cm_ref, mv_ref,
                 wih0_ref, whh0_ref, bih0_ref, bhh0_ref,
                 wih1_ref, whh1_ref, bih1_ref, bhh1_ref,
                 wps_ref, bps_ref, wpsf_ref, bpsf_ref, wpsb_ref, bpsb_ref,
                 hsi_ref, outps_ref, scaled_ref, cols_ref,
                 h0_ref, h1_ref):
    n = cm_ref.shape[0]
    h0_ref[...] = jnp.zeros_like(h0_ref)
    h1_ref[...] = jnp.zeros_like(h1_ref)
    wih0 = wih0_ref[...]
    whh0 = whh0_ref[...]
    bih0 = bih0_ref[...]
    bhh0 = bhh0_ref[...]
    wih1 = wih1_ref[...]
    whh1 = whh1_ref[...]
    bih1 = bih1_ref[...]
    bhh1 = bhh1_ref[...]

    def gru_cell(gi, gh, h):
        r = jax.nn.sigmoid(gi[0:H] + gh[0:H])
        z = jax.nn.sigmoid(gi[H:2 * H] + gh[H:2 * H])
        nn_ = jnp.tanh(gi[2 * H:3 * H] + r * gh[2 * H:3 * H])
        return (1.0 - z) * nn_ + z * h

    NCH = 2

    def step(t, _):
        xt = xt_ref[t]
        cw = n // NCH
        for c in range(NCH):
            sl = slice(c * cw, (c + 1) * cw)
            xtc = xt[:, sl]
            h0 = h0_ref[:, sl]
            gi0 = _bdot(wih0, xtc, 1, 0) + bih0
            gh0 = _bdot(whh0, h0, 1, 0) + bhh0
            y0 = gru_cell(gi0, gh0, h0)
            h0_ref[:, sl] = y0
            h1 = h1_ref[:, sl]
            gi1 = _bdot(wih1, y0, 1, 0) + bih1
            gh1 = _bdot(whh1, h1, 1, 0) + bhh1
            h1_ref[:, sl] = gru_cell(gi1, gh1, h1)
        return 0

    lax.fori_loop(0, T, step, 0)
    xhT = h1_ref[...]

    xh = jnp.transpose(xhT)
    onesH = jnp.ones((1, H), jnp.float32)

    cm = cm_ref[...]
    mv = mv_ref[...]
    s2c = cm * mv
    ssum = jnp.sum(s2c, axis=0, keepdims=True) * cm + 1.0
    s2c = s2c / ssum
    hid1 = _bdot(s2c, xh, 0, 0)
    mask1 = _dot(onesH, hid1, 1, 1) != 0.0
    logits0 = _bdot(xh, hid1, 1, 1)
    m0 = jnp.max(logits0, axis=0, keepdims=True)
    e0 = jnp.exp(logits0 - m0)
    s2c2 = e0 / jnp.sum(e0, axis=0, keepdims=True)
    hid2 = _bdot(s2c2, xh, 0, 0)
    xy = _bdot(xh, hid2, 1, 1)
    xn = jnp.sqrt(jnp.sum(xh * xh, axis=1, keepdims=True))
    yn = jnp.sqrt(_dot(onesH, hid2 * hid2, 1, 1))
    cs = xy / (xn * yn)
    cs = jnp.where(jnp.isnan(cs), 0.0, cs)
    cs = jnp.where(mask1, cs, -jnp.inf)
    mm = jnp.max(cs, axis=1, keepdims=True)
    ee = jnp.exp(cs - mm)
    c2s = ee / jnp.sum(ee, axis=1, keepdims=True)
    attn = _bdot(c2s, hid2, 1, 0)
    ps = _bdot(attn, wps_ref[...], 1, 1) + bps_ref[...]
    psb = _bdot(ps, wpsb_ref[...], 1, 1) + bpsb_ref[...]
    outps_ref[...] = _leaky(_bdot(ps, wpsf_ref[...], 1, 1) + bpsf_ref[...])
    hsi = xh - psb
    hsi_ref[...] = hsi

    hsiT = jnp.transpose(hsi)
    nlane = jnp.sqrt(jnp.sum(hsiT * hsiT, axis=0, keepdims=True))
    col = lax.broadcasted_iota(jnp.int32, (BR, n), 1)
    colrev = (n - 1 - col).astype(jnp.float32)

    def topk_block(b, _):
        xb = hsi_ref[pl.ds(b * BR, BR), :]
        row_g = lax.broadcasted_iota(jnp.int32, (BR, n), 0) + b * BR
        num = _bdot(xb, hsi, 1, 1)
        nsub = jnp.sqrt(jnp.sum(xb * xb, axis=1, keepdims=True))
        v = num / (nsub * nlane)
        v = jnp.where(jnp.isnan(v), 0.0, v)
        v = jnp.where(col == row_g, 0.0, v)
        lane = lax.broadcasted_iota(jnp.int32, (BR, H), 1)
        for k in range(K):
            mk = jnp.max(v, axis=1, keepdims=True)
            idxf = jnp.max(jnp.where(v == mk, colrev, -1.0), axis=1,
                           keepdims=True)
            idxk = (n - 1) - idxf.astype(jnp.int32)
            left = _br(mk) * _br(xb)
            right = jnp.where(lane == 0, mk, 0.0)
            scaled_ref[k, pl.ds(b * BR, BR), :] = jnp.concatenate(
                [left, right], axis=1)
            cols_ref[k, pl.ds(b * BR, BR), :] = idxk
            v = jnp.where(col == idxk, -jnp.inf, v)
        return 0

    lax.fori_loop(0, n // BR, topk_block, 0)


def _decode_body(parts_ref, hsi_ref, outps_ref,
                 whs_ref, bhs_ref, whsb_ref, bhsb_ref, whsf_ref, bhsf_ref,
                 wind_ref, bind_ref, wout_ref,
                 pred_ref):
    n = hsi_ref.shape[0]
    onesH = jnp.ones((1, H), jnp.float32)

    acc = parts_ref[0:n, 0:H] + parts_ref[n:2 * n, 0:H]
    csum = parts_ref[0:n, H:H + 1] + parts_ref[n:2 * n, H:H + 1]

    hsi = hsi_ref[...]
    sumsq = jnp.sum(hsi * hsi, axis=1, keepdims=True)
    norm = jnp.sqrt(sumsq)
    dgq = sumsq / (norm * norm)
    dg = jnp.where(jnp.isnan(dgq), 0.0, dgq)
    keep = csum != 0.0
    hdn = acc + _br(jnp.where(keep, dg, 0.0)) * _br(hsi)

    mask2 = _dot(onesH, hdn, 1, 1) != 0.0
    hnorm = jnp.sqrt(_dot(onesH, hdn * hdn, 1, 1))

    whs = whs_ref[...]
    whsb = whsb_ref[...]
    whsf = whsf_ref[...]
    wind = wind_ref[...]
    wout = wout_ref[...]

    def flash_block(b, _):
        xb = hsi_ref[pl.ds(b * BR, BR), :]
        num = _bdot(xb, hdn, 1, 1)
        nb = jnp.sqrt(jnp.sum(xb * xb, axis=1, keepdims=True))
        cs = num / (nb * hnorm)
        cs = jnp.where(jnp.isnan(cs), 0.0, cs)
        cs = jnp.where(mask2, cs, -jnp.inf)
        mm = jnp.max(cs, axis=1, keepdims=True)
        ee = jnp.exp(cs - mm)
        pw = ee / jnp.sum(ee, axis=1, keepdims=True)
        at = _bdot(pw, hdn, 1, 0)
        hs = _bdot(at, whs, 1, 1) + bhs_ref[...]
        hsb = _bdot(hs, whsb, 1, 1) + bhsb_ref[...]
        out_hs = _leaky(_bdot(hs, whsf, 1, 1) + bhsf_ref[...])
        indi = xb - hsb
        out_indi = _leaky(_bdot(indi, wind, 1, 1) + bind_ref[...])
        tot = outps_ref[pl.ds(b * BR, BR), :] + out_hs + out_indi
        pred_ref[pl.ds(b * BR, BR), :] = jnp.sum(_br(tot) * _br(wout), axis=1,
                                                 keepdims=True)
        return 0

    lax.fori_loop(0, n // BR, flash_block, 0)


SCW = 2 * H


def _build_calls(n, c, interpret=False):
    f32 = jnp.float32
    enc = pl.pallas_call(
        _encode_body,
        out_shape=[
            jax.ShapeDtypeStruct((n, H), f32),
            jax.ShapeDtypeStruct((n, H), f32),
            jax.ShapeDtypeStruct((K, n, SCW), f32),
            jax.ShapeDtypeStruct((K, n, 1), jnp.int32),
        ],
        scratch_shapes=[
            pltpu.VMEM((H, n), f32),
            pltpu.VMEM((H, n), f32),
        ],
        interpret=interpret,
    )
    dec = pl.pallas_call(
        _decode_body,
        out_shape=jax.ShapeDtypeStruct((n, 1), f32),
        interpret=interpret,
    )
    return enc, dec


def _make_sc_scatter(n):
    ncore, nsub = 2, 16
    rows_per = n // (ncore * nsub)
    init_per = n // nsub
    mesh = plsc.VectorSubcoreMesh(core_axis_name="c", subcore_axis_name="s",
                                  num_cores=ncore)

    @functools.partial(
        pl.kernel, mesh=mesh,
        out_type=jax.ShapeDtypeStruct((ncore * n, SCW), jnp.float32),
        scratch_types=[
            pltpu.VMEM((rows_per,), jnp.int32),
            pltpu.VMEM((rows_per, SCW), jnp.float32),
            pltpu.VMEM((init_per, SCW), jnp.float32),
            pltpu.VMEM_SHARED((n, SCW), jnp.float32),
        ],
    )
    def sc_scatter(scaled_hbm, cols_hbm, zeros_hbm, out_hbm,
                   idx_v, row_v, stage_v, acc_sh):
        ci = lax.axis_index("c")
        si = lax.axis_index("s")
        pltpu.sync_copy(zeros_hbm.at[pl.ds(si * init_per, init_per)], stage_v)
        pltpu.sync_copy(stage_v, acc_sh.at[pl.ds(si * init_per, init_per)])
        plsc.subcore_barrier()
        base = ci * (n // ncore) + si * rows_per
        for k in range(K):
            pltpu.sync_copy(cols_hbm.at[pl.ds(k * n + base, rows_per)], idx_v)
            pltpu.sync_copy(scaled_hbm.at[pl.ds(k * n + base, rows_per)],
                            row_v)
            pltpu.sync_copy(row_v, acc_sh.at[idx_v], add=True)
        plsc.subcore_barrier()
        pltpu.sync_copy(acc_sh.at[pl.ds(si * init_per, init_per)], stage_v)
        pltpu.sync_copy(stage_v,
                        out_hbm.at[pl.ds(ci * n + si * init_per, init_per)])

    return sc_scatter


def _run(x, concept_matrix, market_value, params, interpret=False):
    n = x.shape[0]
    c = concept_matrix.shape[1]
    p = params
    xt_seq = x.reshape(n, D_FEAT, T).transpose(2, 1, 0)
    enc, dec = _build_calls(n, c, interpret)
    col = lambda v: v.reshape(-1, 1)
    row = lambda v: v.reshape(1, -1)
    hsi, outps, scaled, cols = enc(
        xt_seq, concept_matrix, col(market_value),
        p['Wih0'], p['Whh0'], col(p['bih0']), col(p['bhh0']),
        p['Wih1'], p['Whh1'], col(p['bih1']), col(p['bhh1']),
        p['Wps'], row(p['bps']), p['Wpsf'], row(p['bpsf']),
        p['Wpsb'], row(p['bpsb']))
    sc_scatter = _make_sc_scatter(n)
    zeros = jnp.zeros((n, SCW), jnp.float32)
    parts = sc_scatter(scaled.reshape(K * n, SCW), cols.reshape(K * n), zeros)
    pred = dec(parts, hsi, outps,
               p['Whs'], row(p['bhs']), p['Whsb'], row(p['bhsb']),
               p['Whsf'], row(p['bhsf']), p['Wind'], row(p['bind']),
               p['Wout'])
    return pred.reshape(-1) + p['bout'][0]


def kernel(x, concept_matrix, market_value, params):
    return _run(x, concept_matrix, market_value, params)

# --- scband reference (transcript-rebuilt; emitter-appended) ---
"""Pipeline reference for scband-hist-2499670966382 (READ-ONLY COPY).

The authoritative reference and input builder live on the scoring server;
editing this copy changes nothing except your own understanding.
"""

import jax, jax.numpy as jnp
import numpy as np

N = 4096
D_FEAT = 6
T = 60
H = 64
C = 128
K = 3

def _xavier(key, o, i):
    lim = (6.0 / (o + i)) ** 0.5
    return jax.random.uniform(key, (o, i), jnp.float32, -lim, lim)

def _unif(key, shape, s):
    return jax.random.uniform(key, shape, jnp.float32, -s, s)

def setup_inputs(seed: int = 0):
    key = jax.random.key(seed)
    ks = jax.random.split(key, 32)
    x = jax.random.normal(ks[0], (N, D_FEAT * T), jnp.float32)
    concept_matrix = jax.random.uniform(ks[1], (N, C), jnp.float32)
    market_value = jax.random.uniform(ks[2], (N,), jnp.float32)
    s = 1.0 / (H ** 0.5)
    params = {
        'Wih0': _unif(ks[3], (3 * H, D_FEAT), s), 'Whh0': _unif(ks[4], (3 * H, H), s),
        'bih0': _unif(ks[5], (3 * H,), s), 'bhh0': _unif(ks[6], (3 * H,), s),
        'Wih1': _unif(ks[7], (3 * H, H), s), 'Whh1': _unif(ks[8], (3 * H, H), s),
        'bih1': _unif(ks[9], (3 * H,), s), 'bhh1': _unif(ks[10], (3 * H,), s),
        'Wps': _xavier(ks[11], H, H), 'bps': _unif(ks[12], (H,), s),
        'Whs': _xavier(ks[13], H, H), 'bhs': _unif(ks[14], (H,), s),
        'Wpsf': _xavier(ks[15], H, H), 'bpsf': _unif(ks[16], (H,), s),
        'Whsf': _xavier(ks[17], H, H), 'bhsf': _unif(ks[18], (H,), s),
        'Wpsb': _xavier(ks[19], H, H), 'bpsb': _unif(ks[20], (H,), s),
        'Whsb': _xavier(ks[21], H, H), 'bhsb': _unif(ks[22], (H,), s),
        'Wind': _xavier(ks[23], H, H), 'bind': _unif(ks[24], (H,), s),
        'Wout': _xavier(ks[25], 1, H), 'bout': _unif(ks[26], (1,), s),
    }
    return {'x': x, 'concept_matrix': concept_matrix, 'market_value': market_value, 'params': params}

def _gru_layer(inp, Wih, Whh, bih, bhh):
    n = inp.shape[0]
    h0 = jnp.zeros((n, H), inp.dtype)
    def step(h, xt):
        gi = xt @ Wih.T + bih
        gh = h @ Whh.T + bhh
        ir, iz, inn = jnp.split(gi, 3, axis=1)
        hr, hz, hn = jnp.split(gh, 3, axis=1)
        r = jax.nn.sigmoid(ir + hr)
        z = jax.nn.sigmoid(iz + hz)
        nn_ = jnp.tanh(inn + r * hn)
        hnew = (1.0 - z) * nn_ + z * h
        return hnew, hnew
    _, ys = jax.lax.scan(step, h0, jnp.swapaxes(inp, 0, 1))
    return jnp.swapaxes(ys, 0, 1)

def _gru(x, p):
    out = _gru_layer(x, p['Wih0'], p['Whh0'], p['bih0'], p['bhh0'])
    out = _gru_layer(out, p['Wih1'], p['Whh1'], p['bih1'], p['bhh1'])
    return out

def _cos(x, y):
    xy = x @ y.T
    xn = jnp.sqrt(jnp.sum(x * x, axis=1)).reshape(-1, 1)
    yn = jnp.sqrt(jnp.sum(y * y, axis=1)).reshape(-1, 1)
    cs = xy / (xn @ yn.T)
    return jnp.where(jnp.isnan(cs), 0.0, cs)

def _lin(x, W, b):
    return x @ W.T + b

def _forward(x, cm, mv, p, idx1=None, idx2=None):
    n = x.shape[0]
    xh = jnp.transpose(x.reshape(n, D_FEAT, -1), (0, 2, 1))
    xh = _gru(xh, p)[:, -1, :]
    mvm = jnp.tile(mv.reshape(-1, 1), (1, cm.shape[1]))
    s2c = cm * mvm
    ssum = jnp.tile(jnp.sum(s2c, axis=0).reshape(1, -1), (n, 1)) * cm + 1.0
    s2c = s2c / ssum
    hid = s2c.T @ xh
    if idx1 is None:
        mask1 = (jnp.sum(hid, axis=1) != 0)
    else:
        hid = jnp.take(hid, idx1, axis=0)
        mask1 = jnp.ones((hid.shape[0],), jnp.bool_)
    s2c2 = jax.nn.softmax(xh @ hid.T, axis=0)
    hid = s2c2.T @ xh
    c2s_logits = _cos(xh, hid)
    c2s_logits = jnp.where(mask1.reshape(1, -1), c2s_logits, -jnp.inf)
    c2s = jax.nn.softmax(c2s_logits, axis=1)
    ps = _lin(c2s @ hid, p['Wps'], p['bps'])
    psb = _lin(ps, p['Wpsb'], p['bpsb'])
    out_ps = jax.nn.leaky_relu(_lin(ps, p['Wpsf'], p['bpsf']), 0.01)
    hsi = xh - psb
    hs2c = _cos(hsi, hsi)
    dg = jnp.diagonal(hs2c)
    hs2c = hs2c * (jnp.ones((n, n), hs2c.dtype) - jnp.eye(n, dtype=hs2c.dtype))
    cols = jax.lax.top_k(hs2c, K)[1]
    rows = jnp.repeat(jnp.arange(n), K)
    mask = jnp.zeros((n, n), hs2c.dtype).at[rows, cols.reshape(-1)].set(1.0)
    hs2c = hs2c * mask
    keep = (jnp.sum(hs2c, axis=0) != 0).astype(hs2c.dtype)
    hs2c = hs2c + jnp.diag(keep * dg)
    hdn = (hsi.T @ hs2c).T
    if idx2 is None:
        mask2 = (jnp.sum(hdn, axis=1) != 0)
    else:
        hdn = jnp.take(hdn, idx2, axis=0)
        mask2 = jnp.ones((hdn.shape[0],), jnp.bool_)
    hc2s_logits = _cos(hsi, hdn)
    hc2s_logits = jnp.where(mask2.reshape(1, -1), hc2s_logits, -jnp.inf)
    hc2s = jax.nn.softmax(hc2s_logits, axis=1)
    hs = _lin(hc2s @ hdn, p['Whs'], p['bhs'])
    hsb = _lin(hs, p['Whsb'], p['bhsb'])
    out_hs = jax.nn.leaky_relu(_lin(hs, p['Whsf'], p['bhsf']), 0.01)
    indi = xh - psb - hsb
    out_indi = jax.nn.leaky_relu(_lin(indi, p['Wind'], p['bind']), 0.01)
    pred_all = _lin(out_ps + out_hs + out_indi, p['Wout'], p['bout']).reshape(-1)
    return pred_all, mask1, mask2

def reference(x, concept_matrix, market_value, params):
    pred, _, _ = _forward(x, concept_matrix, market_value, params)
    return pred

if __name__ == "__main__":
    import jax
    _d = setup_inputs()
    print(jax.jit(kernel)(*tuple(_d.values())))

</pallas_src>

<mosaic_0001>
#map = affine_map<(d0, d1) -> (0, 0)>
#map1 = affine_map<(d0, d1) -> (0)>
module attributes {stable_mosaic.version = 14 : i64} {
  func.func @sc_scatter(%arg0: i32, %arg1: i32, %arg2: memref<12288x128xf32, #tpu.memory_space<hbm>>, %arg3: memref<12288xi32, #tpu.memory_space<hbm>>, %arg4: memref<4096x128xf32, #tpu.memory_space<hbm>>, %arg5: memref<8192x128xf32, #tpu.memory_space<hbm>>, %arg6: memref<128xi32, #tpu.memory_space<vmem>>, %arg7: memref<128x128xf32, #tpu.memory_space<vmem>>, %arg8: memref<256x128xf32, #tpu.memory_space<vmem>>, %arg9: memref<4096x128xf32, #tpu.memory_space<vmem_shared>>) attributes {dimension_semantics = [#tpu.dimension_semantics<core_parallel>, #tpu.dimension_semantics<subcore_parallel>], iteration_bounds = array<i64: 2, 16>, scalar_prefetch = 0 : i64, scratch_operands = 4 : i64, tpu.core_type = #tpu.core_type<sc_vector_subcore>, window_params = [{transform_indices = #map}, {transform_indices = #map1}, {transform_indices = #map}, {transform_indices = #map}]} {
    %mul3A = arith.constant 256 : i32
    %mul3A_0 = arith.muli %arg1, %mul3A : i32
    "tpu.region"() ({
      %run_scoped3A = tpu.sem_alloc : memref<!tpu.dma_semaphore, #tpu.memory_space<semaphore_mem>>
      %dma_start3A = arith.constant 0 : i32
      %dma_start3A_27 = tpu.memref_slice %arg4[%mul3A_0, %dma_start3A] : memref<4096x128xf32, #tpu.memory_space<hbm>> -> memref<256x128xf32, #tpu.memory_space<hbm>>
      %dma_start3A_28 = arith.constant 0 : i32
      %dma_start3A_29 = tpu.memref_slice %arg4[%mul3A_0, %dma_start3A_28] : memref<4096x128xf32, #tpu.memory_space<hbm>> -> memref<256x128xf32, #tpu.memory_space<hbm>>
      tpu.enqueue_dma source(%dma_start3A_29 : memref<256x128xf32, #tpu.memory_space<hbm>>) target(%arg8 : memref<256x128xf32, #tpu.memory_space<vmem>>) target_semaphore(%run_scoped3A : memref<!tpu.dma_semaphore, #tpu.memory_space<semaphore_mem>>)
      %dma_wait3A = arith.constant 0 : i32
      %dma_wait3A_30 = tpu.memref_slice %arg4[%mul3A_0, %dma_wait3A] : memref<4096x128xf32, #tpu.memory_space<hbm>> -> memref<256x128xf32, #tpu.memory_space<hbm>>
      %dma_wait3A_31 = arith.constant 0 : i32
      %dma_wait3A_32 = tpu.memref_slice %arg4[%mul3A_0, %dma_wait3A_31] : memref<4096x128xf32, #tpu.memory_space<hbm>> -> memref<256x128xf32, #tpu.memory_space<hbm>>
      tpu.wait_dma2 semaphore(%run_scoped3A : memref<!tpu.dma_semaphore, #tpu.memory_space<semaphore_mem>>) src(%dma_wait3A_32 : memref<256x128xf32, #tpu.memory_space<hbm>>) dst(%arg8 : memref<256x128xf32, #tpu.memory_space<vmem>>)
      tpu.yield
    }) : () -> ()
    %mul3A_1 = arith.constant 256 : i32
    %mul3A_2 = arith.muli %arg1, %mul3A_1 : i32
    "tpu.region"() ({
      %run_scoped3A = tpu.sem_alloc : memref<!tpu.dma_semaphore, #tpu.memory_space<semaphore_mem>>
      %dma_start3A = arith.constant 0 : i32
      %dma_start3A_27 = tpu.memref_slice %arg9[%mul3A_2, %dma_start3A] : memref<4096x128xf32, #tpu.memory_space<vmem_shared>> -> memref<256x128xf32, #tpu.memory_space<vmem_shared>>
      %dma_start3A_28 = arith.constant 0 : i32
      %dma_start3A_29 = tpu.memref_slice %arg9[%mul3A_2, %dma_start3A_28] : memref<4096x128xf32, #tpu.memory_space<vmem_shared>> -> memref<256x128xf32, #tpu.memory_space<vmem_shared>>
      tpu.enqueue_dma source(%arg8 : memref<256x128xf32, #tpu.memory_space<vmem>>) target(%dma_start3A_29 : memref<256x128xf32, #tpu.memory_space<vmem_shared>>) target_semaphore(%run_scoped3A : memref<!tpu.dma_semaphore, #tpu.memory_space<semaphore_mem>>)
      %dma_wait3A = arith.constant 0 : i32
      %dma_wait3A_30 = tpu.memref_slice %arg9[%mul3A_2, %dma_wait3A] : memref<4096x128xf32, #tpu.memory_space<vmem_shared>> -> memref<256x128xf32, #tpu.memory_space<vmem_shared>>
      %dma_wait3A_31 = arith.constant 0 : i32
      %dma_wait3A_32 = tpu.memref_slice %arg9[%mul3A_2, %dma_wait3A_31] : memref<4096x128xf32, #tpu.memory_space<vmem_shared>> -> memref<256x128xf32, #tpu.memory_space<vmem_shared>>
      tpu.wait_dma2 semaphore(%run_scoped3A : memref<!tpu.dma_semaphore, #tpu.memory_space<semaphore_mem>>) src(%arg8 : memref<256x128xf32, #tpu.memory_space<vmem>>) dst(%dma_wait3A_32 : memref<256x128xf32, #tpu.memory_space<vmem_shared>>)
      tpu.yield
    }) : () -> ()
    %barrier3A = arith.constant 0 : index
    tpu.barrier barrier_id(%barrier3A)
    %mul3A_3 = arith.constant 2048 : i32
    %mul3A_4 = arith.muli %arg0, %mul3A_3 : i32
    %mul3A_5 = arith.constant 128 : i32
    %mul3A_6 = arith.muli %arg1, %mul3A_5 : i32
    %add3A = arith.addi %mul3A_4, %mul3A_6 : i32
    %add3A_7 = arith.constant 0 : i32
    %add3A_8 = arith.addi %add3A_7, %add3A : i32
    "tpu.region"() ({
      %run_scoped3A = tpu.sem_alloc : memref<!tpu.dma_semaphore, #tpu.memory_space<semaphore_mem>>
      %dma_start3A = tpu.memref_slice %arg3[%add3A_8] : memref<12288xi32, #tpu.memory_space<hbm>> -> memref<128xi32, #tpu.memory_space<hbm>>
      %dma_start3A_27 = tpu.memref_slice %arg3[%add3A_8] : memref<12288xi32, #tpu.memory_space<hbm>> -> memref<128xi32, #tpu.memory_space<hbm>>
      tpu.enqueue_dma source(%dma_start3A_27 : memref<128xi32, #tpu.memory_space<hbm>>) target(%arg6 : memref<128xi32, #tpu.memory_space<vmem>>) target_semaphore(%run_scoped3A : memref<!tpu.dma_semaphore, #tpu.memory_space<semaphore_mem>>)
      %dma_wait3A = tpu.memref_slice %arg3[%add3A_8] : memref<12288xi32, #tpu.memory_space<hbm>> -> memref<128xi32, #tpu.memory_space<hbm>>
      %dma_wait3A_28 = tpu.memref_slice %arg3[%add3A_8] : memref<12288xi32, #tpu.memory_space<hbm>> -> memref<128xi32, #tpu.memory_space<hbm>>
      tpu.wait_dma2 semaphore(%run_scoped3A : memref<!tpu.dma_semaphore, #tpu.memory_space<semaphore_mem>>) src(%dma_wait3A_28 : memref<128xi32, #tpu.memory_space<hbm>>) dst(%arg6 : memref<128xi32, #tpu.memory_space<vmem>>)
      tpu.yield
    }) : () -> ()
    %add3A_9 = arith.constant 0 : i32
    %add3A_10 = arith.addi %add3A_9, %add3A : i32
    "tpu.region"() ({
      %run_scoped3A = tpu.sem_alloc : memref<!tpu.dma_semaphore, #tpu.memory_space<semaphore_mem>>
      %dma_start3A = arith.constant 0 : i32
      %dma_start3A_27 = tpu.memref_slice %arg2[%add3A_10, %dma_start3A] : memref<12288x128xf32, #tpu.memory_space<hbm>> -> memref<128x128xf32, #tpu.memory_space<hbm>>
      %dma_start3A_28 = arith.constant 0 : i32
      %dma_start3A_29 = tpu.memref_slice %arg2[%add3A_10, %dma_start3A_28] : memref<12288x128xf32, #tpu.memory_space<hbm>> -> memref<128x128xf32, #tpu.memory_space<hbm>>
      tpu.enqueue_dma source(%dma_start3A_29 : memref<128x128xf32, #tpu.memory_space<hbm>>) target(%arg7 : memref<128x128xf32, #tpu.memory_space<vmem>>) target_semaphore(%run_scoped3A : memref<!tpu.dma_semaphore, #tpu.memory_space<semaphore_mem>>)
      %dma_wait3A = arith.constant 0 : i32
      %dma_wait3A_30 = tpu.memref_slice %arg2[%add3A_10, %dma_wait3A] : memref<12288x128xf32, #tpu.memory_space<hbm>> -> memref<128x128xf32, #tpu.memory_space<hbm>>
      %dma_wait3A_31 = arith.constant 0 : i32
      %dma_wait3A_32 = tpu.memref_slice %arg2[%add3A_10, %dma_wait3A_31] : memref<12288x128xf32, #tpu.memory_space<hbm>> -> memref<128x128xf32, #tpu.memory_space<hbm>>
      tpu.wait_dma2 semaphore(%run_scoped3A : memref<!tpu.dma_semaphore, #tpu.memory_space<semaphore_mem>>) src(%dma_wait3A_32 : memref<128x128xf32, #tpu.memory_space<hbm>>) dst(%arg7 : memref<128x128xf32, #tpu.memory_space<vmem>>)
      tpu.yield
    }) : () -> ()
    "tpu.region"() ({
      %run_scoped3A = tpu.sem_alloc : memref<!tpu.dma_semaphore, #tpu.memory_space<semaphore_mem>>
      %dma_start3A = arith.constant 0 : i32
      %dma_start3A_27 = arith.constant 0 : i32
      %dma_start3A_28 = tpu.memref_slice %arg9[%dma_start3A, %dma_start3A_27] : memref<4096x128xf32, #tpu.memory_space<vmem_shared>> -> memref<4096x128xf32, #tpu.memory_space<vmem_shared>>
      tpu.enqueue_indirect_dma source(%arg7 : memref<128x128xf32, #tpu.memory_space<vmem>>) target(%dma_start3A_28 : memref<4096x128xf32, #tpu.memory_space<vmem_shared>>) offsets(%arg6 : memref<128xi32, #tpu.memory_space<vmem>>) semaphore(%run_scoped3A : memref<!tpu.dma_semaphore, #tpu.memory_space<semaphore_mem>>) {add = true}
      %dma_wait3A = arith.constant 0 : i32
      %dma_wait3A_29 = arith.constant 0 : i32
      %dma_wait3A_30 = tpu.memref_slice %arg9[%dma_wait3A, %dma_wait3A_29] : memref<4096x128xf32, #tpu.memory_space<vmem_shared>> -> memref<4096x128xf32, #tpu.memory_space<vmem_shared>>
      tpu.wait_indirect_dma semaphore(%run_scoped3A : memref<!tpu.dma_semaphore, #tpu.memory_space<semaphore_mem>>) src(%arg7 : memref<128x128xf32, #tpu.memory_space<vmem>>) dst(%dma_wait3A_30 : memref<4096x128xf32, #tpu.memory_space<vmem_shared>>)
      tpu.yield
    }) : () -> ()
    %add3A_11 = arith.constant 4096 : i32
    %add3A_12 = arith.addi %add3A_11, %add3A : i32
    "tpu.region"() ({
      %run_scoped3A = tpu.sem_alloc : memref<!tpu.dma_semaphore, #tpu.memory_space<semaphore_mem>>
      %dma_start3A = tpu.memref_slice %arg3[%add3A_12] : memref<12288xi32, #tpu.memory_space<hbm>> -> memref<128xi32, #tpu.memory_space<hbm>>
      %dma_start3A_27 = tpu.memref_slice %arg3[%add3A_12] : memref<12288xi32, #tpu.memory_space<hbm>> -> memref<128xi32, #tpu.memory_space<hbm>>
      tpu.enqueue_dma source(%dma_start3A_27 : memref<128xi32, #tpu.memory_space<hbm>>) target(%arg6 : memref<128xi32, #tpu.memory_space<vmem>>) target_semaphore(%run_scoped3A : memref<!tpu.dma_semaphore, #tpu.memory_space<semaphore_mem>>)
      %dma_wait3A = tpu.memref_slice %arg3[%add3A_12] : memref<12288xi32, #tpu.memory_space<hbm>> -> memref<128xi32, #tpu.memory_space<hbm>>
      %dma_wait3A_28 = tpu.memref_slice %arg3[%add3A_12] : memref<12288xi32, #tpu.memory_space<hbm>> -> memref<128xi32, #tpu.memory_space<hbm>>
      tpu.wait_dma2 semaphore(%run_scoped3A : memref<!tpu.dma_semaphore, #tpu.memory_space<semaphore_mem>>) src(%dma_wait3A_28 : memref<128xi32, #tpu.memory_space<hbm>>) dst(%arg6 : memref<128xi32, #tpu.memory_space<vmem>>)
      tpu.yield
    }) : () -> ()
    %add3A_13 = arith.constant 4096 : i32
    %add3A_14 = arith.addi %add3A_13, %add3A : i32
    "tpu.region"() ({
      %run_scoped3A = tpu.sem_alloc : memref<!tpu.dma_semaphore, #tpu.memory_space<semaphore_mem>>
      %dma_start3A = arith.constant 0 : i32
      %dma_start3A_27 = tpu.memref_slice %arg2[%add3A_14, %dma_start3A] : memref<12288x128xf32, #tpu.memory_space<hbm>> -> memref<128x128xf32, #tpu.memory_space<hbm>>
      %dma_start3A_28 = arith.constant 0 : i32
      %dma_start3A_29 = tpu.memref_slice %arg2[%add3A_14, %dma_start3A_28] : memref<12288x128xf32, #tpu.memory_space<hbm>> -> memref<128x128xf32, #tpu.memory_space<hbm>>
      tpu.enqueue_dma source(%dma_start3A_29 : memref<128x128xf32, #tpu.memory_space<hbm>>) target(%arg7 : memref<128x128xf32, #tpu.memory_space<vmem>>) target_semaphore(%run_scoped3A : memref<!tpu.dma_semaphore, #tpu.memory_space<semaphore_mem>>)
      %dma_wait3A = arith.constant 0 : i32
      %dma_wait3A_30 = tpu.memref_slice %arg2[%add3A_14, %dma_wait3A] : memref<12288x128xf32, #tpu.memory_space<hbm>> -> memref<128x128xf32, #tpu.memory_space<hbm>>
      %dma_wait3A_31 = arith.constant 0 : i32
      %dma_wait3A_32 = tpu.memref_slice %arg2[%add3A_14, %dma_wait3A_31] : memref<12288x128xf32, #tpu.memory_space<hbm>> -> memref<128x128xf32, #tpu.memory_space<hbm>>
      tpu.wait_dma2 semaphore(%run_scoped3A : memref<!tpu.dma_semaphore, #tpu.memory_space<semaphore_mem>>) src(%dma_wait3A_32 : memref<128x128xf32, #tpu.memory_space<hbm>>) dst(%arg7 : memref<128x128xf32, #tpu.memory_space<vmem>>)
      tpu.yield
    }) : () -> ()
    "tpu.region"() ({
      %run_scoped3A = tpu.sem_alloc : memref<!tpu.dma_semaphore, #tpu.memory_space<semaphore_mem>>
      %dma_start3A = arith.constant 0 : i32
      %dma_start3A_27 = arith.constant 0 : i32
      %dma_start3A_28 = tpu.memref_slice %arg9[%dma_start3A, %dma_start3A_27] : memref<4096x128xf32, #tpu.memory_space<vmem_shared>> -> memref<4096x128xf32, #tpu.memory_space<vmem_shared>>
      tpu.enqueue_indirect_dma source(%arg7 : memref<128x128xf32, #tpu.memory_space<vmem>>) target(%dma_start3A_28 : memref<4096x128xf32, #tpu.memory_space<vmem_shared>>) offsets(%arg6 : memref<128xi32, #tpu.memory_space<vmem>>) semaphore(%run_scoped3A : memref<!tpu.dma_semaphore, #tpu.memory_space<semaphore_mem>>) {add = true}
      %dma_wait3A = arith.constant 0 : i32
      %dma_wait3A_29 = arith.constant 0 : i32
      %dma_wait3A_30 = tpu.memref_slice %arg9[%dma_wait3A, %dma_wait3A_29] : memref<4096x128xf32, #tpu.memory_space<vmem_shared>> -> memref<4096x128xf32, #tpu.memory_space<vmem_shared>>
      tpu.wait_indirect_dma semaphore(%run_scoped3A : memref<!tpu.dma_semaphore, #tpu.memory_space<semaphore_mem>>) src(%arg7 : memref<128x128xf32, #tpu.memory_space<vmem>>) dst(%dma_wait3A_30 : memref<4096x128xf32, #tpu.memory_space<vmem_shared>>)
      tpu.yield
    }) : () -> ()
    %add3A_15 = arith.constant 8192 : i32
    %add3A_16 = arith.addi %add3A_15, %add3A : i32
    "tpu.region"() ({
      %run_scoped3A = tpu.sem_alloc : memref<!tpu.dma_semaphore, #tpu.memory_space<semaphore_mem>>
      %dma_start3A = tpu.memref_slice %arg3[%add3A_16] : memref<12288xi32, #tpu.memory_space<hbm>> -> memref<128xi32, #tpu.memory_space<hbm>>
      %dma_start3A_27 = tpu.memref_slice %arg3[%add3A_16] : memref<12288xi32, #tpu.memory_space<hbm>> -> memref<128xi32, #tpu.memory_space<hbm>>
      tpu.enqueue_dma source(%dma_start3A_27 : memref<128xi32, #tpu.memory_space<hbm>>) target(%arg6 : memref<128xi32, #tpu.memory_space<vmem>>) target_semaphore(%run_scoped3A : memref<!tpu.dma_semaphore, #tpu.memory_space<semaphore_mem>>)
      %dma_wait3A = tpu.memref_slice %arg3[%add3A_16] : memref<12288xi32, #tpu.memory_space<hbm>> -> memref<128xi32, #tpu.memory_space<hbm>>
      %dma_wait3A_28 = tpu.memref_slice %arg3[%add3A_16] : memref<12288xi32, #tpu.memory_space<hbm>> -> memref<128xi32, #tpu.memory_space<hbm>>
      tpu.wait_dma2 semaphore(%run_scoped3A : memref<!tpu.dma_semaphore, #tpu.memory_space<semaphore_mem>>) src(%dma_wait3A_28 : memref<128xi32, #tpu.memory_space<hbm>>) dst(%arg6 : memref<128xi32, #tpu.memory_space<vmem>>)
      tpu.yield
    }) : () -> ()
    %add3A_17 = arith.constant 8192 : i32
    %add3A_18 = arith.addi %add3A_17, %add3A : i32
    "tpu.region"() ({
      %run_scoped3A = tpu.sem_alloc : memref<!tpu.dma_semaphore, #tpu.memory_space<semaphore_mem>>
      %dma_start3A = arith.constant 0 : i32
      %dma_start3A_27 = tpu.memref_slice %arg2[%add3A_18, %dma_start3A] : memref<12288x128xf32, #tpu.memory_space<hbm>> -> memref<128x128xf32, #tpu.memory_space<hbm>>
      %dma_start3A_28 = arith.constant 0 : i32
      %dma_start3A_29 = tpu.memref_slice %arg2[%add3A_18, %dma_start3A_28] : memref<12288x128xf32, #tpu.memory_space<hbm>> -> memref<128x128xf32, #tpu.memory_space<hbm>>
      tpu.enqueue_dma source(%dma_start3A_29 : memref<128x128xf32, #tpu.memory_space<hbm>>) target(%arg7 : memref<128x128xf32, #tpu.memory_space<vmem>>) target_semaphore(%run_scoped3A : memref<!tpu.dma_semaphore, #tpu.memory_space<semaphore_mem>>)
      %dma_wait3A = arith.constant 0 : i32
      %dma_wait3A_30 = tpu.memref_slice %arg2[%add3A_18, %dma_wait3A] : memref<12288x128xf32, #tpu.memory_space<hbm>> -> memref<128x128xf32, #tpu.memory_space<hbm>>
      %dma_wait3A_31 = arith.constant 0 : i32
      %dma_wait3A_32 = tpu.memref_slice %arg2[%add3A_18, %dma_wait3A_31] : memref<12288x128xf32, #tpu.memory_space<hbm>> -> memref<128x128xf32, #tpu.memory_space<hbm>>
      tpu.wait_dma2 semaphore(%run_scoped3A : memref<!tpu.dma_semaphore, #tpu.memory_space<semaphore_mem>>) src(%dma_wait3A_32 : memref<128x128xf32, #tpu.memory_space<hbm>>) dst(%arg7 : memref<128x128xf32, #tpu.memory_space<vmem>>)
      tpu.yield
    }) : () -> ()
    "tpu.region"() ({
      %run_scoped3A = tpu.sem_alloc : memref<!tpu.dma_semaphore, #tpu.memory_space<semaphore_mem>>
      %dma_start3A = arith.constant 0 : i32
      %dma_start3A_27 = arith.constant 0 : i32
      %dma_start3A_28 = tpu.memref_slice %arg9[%dma_start3A, %dma_start3A_27] : memref<4096x128xf32, #tpu.memory_space<vmem_shared>> -> memref<4096x128xf32, #tpu.memory_space<vmem_shared>>
      tpu.enqueue_indirect_dma source(%arg7 : memref<128x128xf32, #tpu.memory_space<vmem>>) target(%dma_start3A_28 : memref<4096x128xf32, #tpu.memory_space<vmem_shared>>) offsets(%arg6 : memref<128xi32, #tpu.memory_space<vmem>>) semaphore(%run_scoped3A : memref<!tpu.dma_semaphore, #tpu.memory_space<semaphore_mem>>) {add = true}
      %dma_wait3A = arith.constant 0 : i32
      %dma_wait3A_29 = arith.constant 0 : i32
      %dma_wait3A_30 = tpu.memref_slice %arg9[%dma_wait3A, %dma_wait3A_29] : memref<4096x128xf32, #tpu.memory_space<vmem_shared>> -> memref<4096x128xf32, #tpu.memory_space<vmem_shared>>
      tpu.wait_indirect_dma semaphore(%run_scoped3A : memref<!tpu.dma_semaphore, #tpu.memory_space<semaphore_mem>>) src(%arg7 : memref<128x128xf32, #tpu.memory_space<vmem>>) dst(%dma_wait3A_30 : memref<4096x128xf32, #tpu.memory_space<vmem_shared>>)
      tpu.yield
    }) : () -> ()
    %barrier3A_19 = arith.constant 0 : index
    tpu.barrier barrier_id(%barrier3A_19)
    %mul3A_20 = arith.constant 256 : i32
    %mul3A_21 = arith.muli %arg1, %mul3A_20 : i32
    "tpu.region"() ({
      %run_scoped3A = tpu.sem_alloc : memref<!tpu.dma_semaphore, #tpu.memory_space<semaphore_mem>>
      %dma_start3A = arith.constant 0 : i32
      %dma_start3A_27 = tpu.memref_slice %arg9[%mul3A_21, %dma_start3A] : memref<4096x128xf32, #tpu.memory_space<vmem_shared>> -> memref<256x128xf32, #tpu.memory_space<vmem_shared>>
      %dma_start3A_28 = arith.constant 0 : i32
      %dma_start3A_29 = tpu.memref_slice %arg9[%mul3A_21, %dma_start3A_28] : memref<4096x128xf32, #tpu.memory_space<vmem_shared>> -> memref<256x128xf32, #tpu.memory_space<vmem_shared>>
      tpu.enqueue_dma source(%dma_start3A_29 : memref<256x128xf32, #tpu.memory_space<vmem_shared>>) target(%arg8 : memref<256x128xf32, #tpu.memory_space<vmem>>) target_semaphore(%run_scoped3A : memref<!tpu.dma_semaphore, #tpu.memory_space<semaphore_mem>>)
      %dma_wait3A = arith.constant 0 : i32
      %dma_wait3A_30 = tpu.memref_slice %arg9[%mul3A_21, %dma_wait3A] : memref<4096x128xf32, #tpu.memory_space<vmem_shared>> -> memref<256x128xf32, #tpu.memory_space<vmem_shared>>
      %dma_wait3A_31 = arith.constant 0 : i32
      %dma_wait3A_32 = tpu.memref_slice %arg9[%mul3A_21, %dma_wait3A_31] : memref<4096x128xf32, #tpu.memory_space<vmem_shared>> -> memref<256x128xf32, #tpu.memory_space<vmem_shared>>
      tpu.wait_dma2 semaphore(%run_scoped3A : memref<!tpu.dma_semaphore, #tpu.memory_space<semaphore_mem>>) src(%dma_wait3A_32 : memref<256x128xf32, #tpu.memory_space<vmem_shared>>) dst(%arg8 : memref<256x128xf32, #tpu.memory_space<vmem>>)
      tpu.yield
    }) : () -> ()
    %mul3A_22 = arith.constant 4096 : i32
    %mul3A_23 = arith.muli %arg0, %mul3A_22 : i32
    %mul3A_24 = arith.constant 256 : i32
    %mul3A_25 = arith.muli %arg1, %mul3A_24 : i32
    %add3A_26 = arith.addi %mul3A_23, %mul3A_25 : i32
    "tpu.region"() ({
      %run_scoped3A = tpu.sem_alloc : memref<!tpu.dma_semaphore, #tpu.memory_space<semaphore_mem>>
      %dma_start3A = arith.constant 0 : i32
      %dma_start3A_27 = tpu.memref_slice %arg5[%add3A_26, %dma_start3A] : memref<8192x128xf32, #tpu.memory_space<hbm>> -> memref<256x128xf32, #tpu.memory_space<hbm>>
      %dma_start3A_28 = arith.constant 0 : i32
      %dma_start3A_29 = tpu.memref_slice %arg5[%add3A_26, %dma_start3A_28] : memref<8192x128xf32, #tpu.memory_space<hbm>> -> memref<256x128xf32, #tpu.memory_space<hbm>>
      tpu.enqueue_dma source(%arg8 : memref<256x128xf32, #tpu.memory_space<vmem>>) target(%dma_start3A_29 : memref<256x128xf32, #tpu.memory_space<hbm>>) target_semaphore(%run_scoped3A : memref<!tpu.dma_semaphore, #tpu.memory_space<semaphore_mem>>)
      %dma_wait3A = arith.constant 0 : i32
      %dma_wait3A_30 = tpu.memref_slice %arg5[%add3A_26, %dma_wait3A] : memref<8192x128xf32, #tpu.memory_space<hbm>> -> memref<256x128xf32, #tpu.memory_space<hbm>>
      %dma_wait3A_31 = arith.constant 0 : i32
      %dma_wait3A_32 = tpu.memref_slice %arg5[%add3A_26, %dma_wait3A_31] : memref<8192x128xf32, #tpu.memory_space<hbm>> -> memref<256x128xf32, #tpu.memory_space<hbm>>
      tpu.wait_dma2 semaphore(%run_scoped3A : memref<!tpu.dma_semaphore, #tpu.memory_space<semaphore_mem>>) src(%arg8 : memref<256x128xf32, #tpu.memory_space<vmem>>) dst(%dma_wait3A_32 : memref<256x128xf32, #tpu.memory_space<hbm>>)
      tpu.yield
    }) : () -> ()
    return
  }
}

module attributes {stable_mosaic.version = 14 : i64} {
  func.func @_encode_body(%arg0: memref<60x6x4096xf32, #tpu.memory_space<vmem>>, %arg1: memref<4096x128xf32, #tpu.memory_space<vmem>>, %arg2: memref<4096x1xf32, #tpu.memory_space<vmem>>, %arg3: memref<192x6xf32, #tpu.memory_space<vmem>>, %arg4: memref<192x64xf32, #tpu.memory_space<vmem>>, %arg5: memref<192x1xf32, #tpu.memory_space<vmem>>, %arg6: memref<192x1xf32, #tpu.memory_space<vmem>>, %arg7: memref<192x64xf32, #tpu.memory_space<vmem>>, %arg8: memref<192x64xf32, #tpu.memory_space<vmem>>, %arg9: memref<192x1xf32, #tpu.memory_space<vmem>>, %arg10: memref<192x1xf32, #tpu.memory_space<vmem>>, %arg11: memref<64x64xf32, #tpu.memory_space<vmem>>, %arg12: memref<1x64xf32, #tpu.memory_space<vmem>>, %arg13: memref<64x64xf32, #tpu.memory_space<vmem>>, %arg14: memref<1x64xf32, #tpu.memory_space<vmem>>, %arg15: memref<64x64xf32, #tpu.memory_space<vmem>>, %arg16: memref<1x64xf32, #tpu.memory_space<vmem>>, %arg17: memref<4096x64xf32, #tpu.memory_space<vmem>>, %arg18: memref<4096x64xf32, #tpu.memory_space<vmem>>, %arg19: memref<3x4096x128xf32, #tpu.memory_space<vmem>>, %arg20: memref<3x4096x1xi32, #tpu.memory_space<vmem>>, %arg21: memref<64x4096xf32, #tpu.memory_space<vmem>>, %arg22: memref<64x4096xf32, #tpu.memory_space<vmem>>) attributes {dimension_semantics = [], scalar_prefetch = 0 : i64, scratch_operands = 2 : i64, tpu.core_type = #tpu.core_type<tc>} {
    %broadcast_in_dim3A = arith.constant 0.000000e+00 : f32
    %broadcast_in_dim3A_0 = vector.broadcast %broadcast_in_dim3A : f32 to vector<64x4096xf32>
    %swap3A = arith.constant 0 : index
    %swap3A_1 = arith.constant 0 : index
    %swap3A_2 = vector.load %arg21[%swap3A, %swap3A_1] : memref<64x4096xf32, #tpu.memory_space<vmem>>, vector<64x4096xf32>
    tpu.vector_store %arg21[%swap3A, %swap3A_1], %broadcast_in_dim3A_0 {strides = array<i32>} : memref<64x4096xf32, #tpu.memory_space<vmem>>, vector<64x4096xf32>,
    %broadcast_in_dim3A_3 = arith.constant 0.000000e+00 : f32
    %broadcast_in_dim3A_4 = vector.broadcast %broadcast_in_dim3A_3 : f32 to vector<64x4096xf32>
    %swap3A_5 = arith.constant 0 : index
    %swap3A_6 = arith.constant 0 : index
    %swap3A_7 = vector.load %arg22[%swap3A_5, %swap3A_6] : memref<64x4096xf32, #tpu.memory_space<vmem>>, vector<64x4096xf32>
    tpu.vector_store %arg22[%swap3A_5, %swap3A_6], %broadcast_in_dim3A_4 {strides = array<i32>} : memref<64x4096xf32, #tpu.memory_space<vmem>>, vector<64x4096xf32>,
    %get3A = arith.constant 0 : index
    %get3A_8 = arith.constant 0 : index
    %get3A_9 = vector.load %arg3[%get3A, %get3A_8] : memref<192x6xf32, #tpu.memory_space<vmem>>, vector<192x6xf32>
    %get3A_10 = arith.constant 0 : index
    %get3A_11 = arith.constant 0 : index
    %get3A_12 = vector.load %arg4[%get3A_10, %get3A_11] : memref<192x64xf32, #tpu.memory_space<vmem>>, vector<192x64xf32>
    %get3A_13 = arith.constant 0 : index
    %get3A_14 = arith.constant 0 : index
    %get3A_15 = vector.load %arg5[%get3A_13, %get3A_14] : memref<192x1xf32, #tpu.memory_space<vmem>>, vector<192x1xf32>
    %get3A_16 = arith.constant 0 : index
    %get3A_17 = arith.constant 0 : index
    %get3A_18 = vector.load %arg6[%get3A_16, %get3A_17] : memref<192x1xf32, #tpu.memory_space<vmem>>, vector<192x1xf32>
    %get3A_19 = arith.constant 0 : index
    %get3A_20 = arith.constant 0 : index
    %get3A_21 = vector.load %arg7[%get3A_19, %get3A_20] : memref<192x64xf32, #tpu.memory_space<vmem>>, vector<192x64xf32>
    %get3A_22 = arith.constant 0 : index
    %get3A_23 = arith.constant 0 : index
    %get3A_24 = vector.load %arg8[%get3A_22, %get3A_23] : memref<192x64xf32, #tpu.memory_space<vmem>>, vector<192x64xf32>
    %get3A_25 = arith.constant 0 : index
    %get3A_26 = arith.constant 0 : index
    %get3A_27 = vector.load %arg9[%get3A_25, %get3A_26] : memref<192x1xf32, #tpu.memory_space<vmem>>, vector<192x1xf32>
    %get3A_28 = arith.constant 0 : index
    %get3A_29 = arith.constant 0 : index
    %get3A_30 = vector.load %arg10[%get3A_28, %get3A_29] : memref<192x1xf32, #tpu.memory_space<vmem>>, vector<192x1xf32>
    %scan3A = arith.constant 0 : i32
    %scan3A_31 = arith.constant 60 : i32
    %scan3A_32 = arith.addi %scan3A, %scan3A_31 : i32
    %scan3A_33 = arith.constant 1 : i32
    scf.for %scan3A_177 = %scan3A to %scan3A_32 step %scan3A_33  : i32 {
      %get3A_178 = arith.index_cast %scan3A_177 : i32 to index
      %get3A_179 = arith.constant 0 : index
      %get3A_180 = arith.constant 0 : index
      %get3A_181 = vector.load %arg0[%get3A_178, %get3A_179, %get3A_180] : memref<60x6x4096xf32, #tpu.memory_space<vmem>>, vector<1x6x4096xf32>
      %get3A_182 = vector.shape_cast %get3A_181 : vector<1x6x4096xf32> to vector<6x4096xf32>
      %slice3A = vector.extract_strided_slice %get3A_182 {offsets = [0, 0], sizes = [6, 2048], strides = [1, 1]} : vector<6x4096xf32> to vector<6x2048xf32>
      %get3A_183 = arith.constant 0 : index
      %get3A_184 = arith.constant 0 : index
      %get3A_185 = vector.load %arg21[%get3A_183, %get3A_184] : memref<64x4096xf32, #tpu.memory_space<vmem>>, vector<64x2048xf32>
      %convert_element_type3A_186 = arith.truncf %get3A_9 : vector<192x6xf32> to vector<192x6xbf16>
      %convert_element_type3A_187 = arith.truncf %slice3A : vector<6x2048xf32> to vector<6x2048xbf16>
      %dot_general3A_188 = arith.constant dense<0.000000e+00> : vector<192x2048xf32>
      %dot_general3A_189 = tpu.matmul %convert_element_type3A_186, %convert_element_type3A_187, %dot_general3A_188 {dimension_numbers = #tpu.dot_dimension_numbers<[1], [0], [0], [1], [0, 0, 1, 1], [], []>, transpose_lhs_hint = false} : vector<192x6xbf16>, vector<6x2048xbf16>, vector<192x2048xf32> -> vector<192x2048xf32>
      %add3A_190 = vector.broadcast %get3A_15 : vector<192x1xf32> to vector<192x2048xf32>
      %add3A_191 = arith.addf %dot_general3A_189, %add3A_190 : vector<192x2048xf32>
      %convert_element_type3A_192 = arith.truncf %get3A_12 : vector<192x64xf32> to vector<192x64xbf16>
      %convert_element_type3A_193 = arith.truncf %get3A_185 : vector<64x2048xf32> to vector<64x2048xbf16>
      %dot_general3A_194 = arith.constant dense<0.000000e+00> : vector<192x2048xf32>
      %dot_general3A_195 = tpu.matmul %convert_element_type3A_192, %convert_element_type3A_193, %dot_general3A_194 {dimension_numbers = #tpu.dot_dimension_numbers<[1], [0], [0], [1], [0, 0, 1, 1], [], []>, transpose_lhs_hint = false} : vector<192x64xbf16>, vector<64x2048xbf16>, vector<192x2048xf32> -> vector<192x2048xf32>
      %add3A_196 = vector.broadcast %get3A_18 : vector<192x1xf32> to vector<192x2048xf32>
      %add3A_197 = arith.addf %dot_general3A_195, %add3A_196 : vector<192x2048xf32>
      %slice3A_198 = vector.extract_strided_slice %add3A_191 {offsets = [0, 0], sizes = [64, 2048], strides = [1, 1]} : vector<192x2048xf32> to vector<64x2048xf32>
      %slice3A_199 = vector.extract_strided_slice %add3A_197 {offsets = [0, 0], sizes = [64, 2048], strides = [1, 1]} : vector<192x2048xf32> to vector<64x2048xf32>
      %add3A_200 = arith.addf %slice3A_198, %slice3A_199 : vector<64x2048xf32>
      %logistic3A = arith.negf %add3A_200 : vector<64x2048xf32>
      %logistic3A_201 = math.exp %logistic3A : vector<64x2048xf32>
      %logistic3A_202 = arith.constant 1.000000e+00 : f32
      %logistic3A_203 = vector.broadcast %logistic3A_202 : f32 to vector<64x2048xf32>
      %logistic3A_204 = arith.addf %logistic3A_203, %logistic3A_201 : vector<64x2048xf32>
      %logistic3A_205 = arith.divf %logistic3A_203, %logistic3A_204 : vector<64x2048xf32>
      %slice3A_206 = vector.extract_strided_slice %add3A_191 {offsets = [64, 0], sizes = [64, 2048], strides = [1, 1]} : vector<192x2048xf32> to vector<64x2048xf32>
      %slice3A_207 = vector.extract_strided_slice %add3A_197 {offsets = [64, 0], sizes = [64, 2048], strides = [1, 1]} : vector<192x2048xf32> to vector<64x2048xf32>
      %add3A_208 = arith.addf %slice3A_206, %slice3A_207 : vector<64x2048xf32>
      %logistic3A_209 = arith.negf %add3A_208 : vector<64x2048xf32>
      %logistic3A_210 = math.exp %logistic3A_209 : vector<64x2048xf32>
      %logistic3A_211 = arith.constant 1.000000e+00 : f32
      %logistic3A_212 = vector.broadcast %logistic3A_211 : f32 to vector<64x2048xf32>
      %logistic3A_213 = arith.addf %logistic3A_212, %logistic3A_210 : vector<64x2048xf32>
      %logistic3A_214 = arith.divf %logistic3A_212, %logistic3A_213 : vector<64x2048xf32>
      %slice3A_215 = vector.extract_strided_slice %add3A_191 {offsets = [128, 0], sizes = [64, 2048], strides = [1, 1]} : vector<192x2048xf32> to vector<64x2048xf32>
      %slice3A_216 = vector.extract_strided_slice %add3A_197 {offsets = [128, 0], sizes = [64, 2048], strides = [1, 1]} : vector<192x2048xf32> to vector<64x2048xf32>
      %mul3A_217 = arith.mulf %logistic3A_205, %slice3A_216 : vector<64x2048xf32>
      %add3A_218 = arith.addf %slice3A_215, %mul3A_217 : vector<64x2048xf32>
      %tanh3A = math.tanh %add3A_218 : vector<64x2048xf32>
      %sub3A_219 = arith.constant 1.000000e+00 : f32
      %sub3A_220 = vector.broadcast %sub3A_219 : f32 to vector<64x2048xf32>
      %sub3A_221 = arith.subf %sub3A_220, %logistic3A_214 : vector<64x2048xf32>
      %mul3A_222 = arith.mulf %sub3A_221, %tanh3A : vector<64x2048xf32>
      %mul3A_223 = arith.mulf %logistic3A_214, %get3A_185 : vector<64x2048xf32>
      %add3A_224 = arith.addf %mul3A_222, %mul3A_223 : vector<64x2048xf32>
      %swap3A_225 = arith.constant 0 : index
      %swap3A_226 = arith.constant 0 : index
      %swap3A_227 = vector.load %arg21[%swap3A_225, %swap3A_226] : memref<64x4096xf32, #tpu.memory_space<vmem>>, vector<64x2048xf32>
      tpu.vector_store %arg21[%swap3A_225, %swap3A_226], %add3A_224 {strides = array<i32>} : memref<64x4096xf32, #tpu.memory_space<vmem>>, vector<64x2048xf32>,
      %get3A_228 = arith.constant 0 : index
      %get3A_229 = arith.constant 0 : index
      %get3A_230 = vector.load %arg22[%get3A_228, %get3A_229] : memref<64x4096xf32, #tpu.memory_space<vmem>>, vector<64x2048xf32>
      %convert_element_type3A_231 = arith.truncf %get3A_21 : vector<192x64xf32> to vector<192x64xbf16>
      %convert_element_type3A_232 = arith.truncf %add3A_224 : vector<64x2048xf32> to vector<64x2048xbf16>
      %dot_general3A_233 = arith.constant dense<0.000000e+00> : vector<192x2048xf32>
      %dot_general3A_234 = tpu.matmul %convert_element_type3A_231, %convert_element_type3A_232, %dot_general3A_233 {dimension_numbers = #tpu.dot_dimension_numbers<[1], [0], [0], [1], [0, 0, 1, 1], [], []>, transpose_lhs_hint = false} : vector<192x64xbf16>, vector<64x2048xbf16>, vector<192x2048xf32> -> vector<192x2048xf32>
      %add3A_235 = vector.broadcast %get3A_27 : vector<192x1xf32> to vector<192x2048xf32>
      %add3A_236 = arith.addf %dot_general3A_234, %add3A_235 : vector<192x2048xf32>
      %convert_element_type3A_237 = arith.truncf %get3A_24 : vector<192x64xf32> to vector<192x64xbf16>
      %convert_element_type3A_238 = arith.truncf %get3A_230 : vector<64x2048xf32> to vector<64x2048xbf16>
      %dot_general3A_239 = arith.constant dense<0.000000e+00> : vector<192x2048xf32>
      %dot_general3A_240 = tpu.matmul %convert_element_type3A_237, %convert_element_type3A_238, %dot_general3A_239 {dimension_numbers = #tpu.dot_dimension_numbers<[1], [0], [0], [1], [0, 0, 1, 1], [], []>, transpose_lhs_hint = false} : vector<192x64xbf16>, vector<64x2048xbf16>, vector<192x2048xf32> -> vector<192x2048xf32>
      %add3A_241 = vector.broadcast %get3A_30 : vector<192x1xf32> to vector<192x2048xf32>
      %add3A_242 = arith.addf %dot_general3A_240, %add3A_241 : vector<192x2048xf32>
      %slice3A_243 = vector.extract_strided_slice %add3A_236 {offsets = [0, 0], sizes = [64, 2048], strides = [1, 1]} : vector<192x2048xf32> to vector<64x2048xf32>
      %slice3A_244 = vector.extract_strided_slice %add3A_242 {offsets = [0, 0], sizes = [64, 2048], strides = [1, 1]} : vector<192x2048xf32> to vector<64x2048xf32>
      %add3A_245 = arith.addf %slice3A_243, %slice3A_244 : vector<64x2048xf32>
      %logistic3A_246 = arith.negf %add3A_245 : vector<64x2048xf32>
      %logistic3A_247 = math.exp %logistic3A_246 : vector<64x2048xf32>
      %logistic3A_248 = arith.constant 1.000000e+00 : f32
      %logistic3A_249 = vector.broadcast %logistic3A_248 : f32 to vector<64x2048xf32>
      %logistic3A_250 = arith.addf %logistic3A_249, %logistic3A_247 : vector<64x2048xf32>
      %logistic3A_251 = arith.divf %logistic3A_249, %logistic3A_250 : vector<64x2048xf32>
      %slice3A_252 = vector.extract_strided_slice %add3A_236 {offsets = [64, 0], sizes = [64, 2048], strides = [1, 1]} : vector<192x2048xf32> to vector<64x2048xf32>
      %slice3A_253 = vector.extract_strided_slice %add3A_242 {offsets = [64, 0], sizes = [64, 2048], strides = [1, 1]} : vector<192x2048xf32> to vector<64x2048xf32>
      %add3A_254 = arith.addf %slice3A_252, %slice3A_253 : vector<64x2048xf32>
      %logistic3A_255 = arith.negf %add3A_254 : vector<64x2048xf32>
      %logistic3A_256 = math.exp %logistic3A_255 : vector<64x2048xf32>
      %logistic3A_257 = arith.constant 1.000000e+00 : f32
      %logistic3A_258 = vector.broadcast %logistic3A_257 : f32 to vector<64x2048xf32>
      %logistic3A_259 = arith.addf %logistic3A_258, %logistic3A_256 : vector<64x2048xf32>
      %logistic3A_260 = arith.divf %logistic3A_258, %logistic3A_259 : vector<64x2048xf32>
      %slice3A_261 = vector.extract_strided_slice %add3A_236 {offsets = [128, 0], sizes = [64, 2048], strides = [1, 1]} : vector<192x2048xf32> to vector<64x2048xf32>
      %slice3A_262 = vector.extract_strided_slice %add3A_242 {offsets = [128, 0], sizes = [64, 2048], strides = [1, 1]} : vector<192x2048xf32> to vector<64x2048xf32>
      %mul3A_263 = arith.mulf %logistic3A_251, %slice3A_262 : vector<64x2048xf32>
      %add3A_264 = arith.addf %slice3A_261, %mul3A_263 : vector<64x2048xf32>
      %tanh3A_265 = math.tanh %add3A_264 : vector<64x2048xf32>
      %sub3A_266 = arith.constant 1.000000e+00 : f32
      %sub3A_267 = vector.broadcast %sub3A_266 : f32 to vector<64x2048xf32>
      %sub3A_268 = arith.subf %sub3A_267, %logistic3A_260 : vector<64x2048xf32>
      %mul3A_269 = arith.mulf %sub3A_268, %tanh3A_265 : vector<64x2048xf32>
      %mul3A_270 = arith.mulf %logistic3A_260, %get3A_230 : vector<64x2048xf32>
      %add3A_271 = arith.addf %mul3A_269, %mul3A_270 : vector<64x2048xf32>
      %swap3A_272 = arith.constant 0 : index
      %swap3A_273 = arith.constant 0 : index
      %swap3A_274 = vector.load %arg22[%swap3A_272, %swap3A_273] : memref<64x4096xf32, #tpu.memory_space<vmem>>, vector<64x2048xf32>
      tpu.vector_store %arg22[%swap3A_272, %swap3A_273], %add3A_271 {strides = array<i32>} : memref<64x4096xf32, #tpu.memory_space<vmem>>, vector<64x2048xf32>,
      %slice3A_275 = vector.extract_strided_slice %get3A_182 {offsets = [0, 2048], sizes = [6, 2048], strides = [1, 1]} : vector<6x4096xf32> to vector<6x2048xf32>
      %get3A_276 = arith.constant 0 : index
      %get3A_277 = arith.constant 2048 : index
      %get3A_278 = vector.load %arg21[%get3A_276, %get3A_277] : memref<64x4096xf32, #tpu.memory_space<vmem>>, vector<64x2048xf32>
      %convert_element_type3A_279 = arith.truncf %get3A_9 : vector<192x6xf32> to vector<192x6xbf16>
      %convert_element_type3A_280 = arith.truncf %slice3A_275 : vector<6x2048xf32> to vector<6x2048xbf16>
      %dot_general3A_281 = arith.constant dense<0.000000e+00> : vector<192x2048xf32>
      %dot_general3A_282 = tpu.matmul %convert_element_type3A_279, %convert_element_type3A_280, %dot_general3A_281 {dimension_numbers = #tpu.dot_dimension_numbers<[1], [0], [0], [1], [0, 0, 1, 1], [], []>, transpose_lhs_hint = false} : vector<192x6xbf16>, vector<6x2048xbf16>, vector<192x2048xf32> -> vector<192x2048xf32>
      %add3A_283 = vector.broadcast %get3A_15 : vector<192x1xf32> to vector<192x2048xf32>
      %add3A_284 = arith.addf %dot_general3A_282, %add3A_283 : vector<192x2048xf32>
      %convert_element_type3A_285 = arith.truncf %get3A_12 : vector<192x64xf32> to vector<192x64xbf16>
      %convert_element_type3A_286 = arith.truncf %get3A_278 : vector<64x2048xf32> to vector<64x2048xbf16>
      %dot_general3A_287 = arith.constant dense<0.000000e+00> : vector<192x2048xf32>
      %dot_general3A_288 = tpu.matmul %convert_element_type3A_285, %convert_element_type3A_286, %dot_general3A_287 {dimension_numbers = #tpu.dot_dimension_numbers<[1], [0], [0], [1], [0, 0, 1, 1], [], []>, transpose_lhs_hint = false} : vector<192x64xbf16>, vector<64x2048xbf16>, vector<192x2048xf32> -> vector<192x2048xf32>
      %add3A_289 = vector.broadcast %get3A_18 : vector<192x1xf32> to vector<192x2048xf32>
      %add3A_290 = arith.addf %dot_general3A_288, %add3A_289 : vector<192x2048xf32>
      %slice3A_291 = vector.extract_strided_slice %add3A_284 {offsets = [0, 0], sizes = [64, 2048], strides = [1, 1]} : vector<192x2048xf32> to vector<64x2048xf32>
      %slice3A_292 = vector.extract_strided_slice %add3A_290 {offsets = [0, 0], sizes = [64, 2048], strides = [1, 1]} : vector<192x2048xf32> to vector<64x2048xf32>
      %add3A_293 = arith.addf %slice3A_291, %slice3A_292 : vector<64x2048xf32>
      %logistic3A_294 = arith.negf %add3A_293 : vector<64x2048xf32>
      %logistic3A_295 = math.exp %logistic3A_294 : vector<64x2048xf32>
      %logistic3A_296 = arith.constant 1.000000e+00 : f32
      %logistic3A_297 = vector.broadcast %logistic3A_296 : f32 to vector<64x2048xf32>
      %logistic3A_298 = arith.addf %logistic3A_297, %logistic3A_295 : vector<64x2048xf32>
      %logistic3A_299 = arith.divf %logistic3A_297, %logistic3A_298 : vector<64x2048xf32>
      %slice3A_300 = vector.extract_strided_slice %add3A_284 {offsets = [64, 0], sizes = [64, 2048], strides = [1, 1]} : vector<192x2048xf32> to vector<64x2048xf32>
      %slice3A_301 = vector.extract_strided_slice %add3A_290 {offsets = [64, 0], sizes = [64, 2048], strides = [1, 1]} : vector<192x2048xf32> to vector<64x2048xf32>
      %add3A_302 = arith.addf %slice3A_300, %slice3A_301 : vector<64x2048xf32>
      %logistic3A_303 = arith.negf %add3A_302 : vector<64x2048xf32>
      %logistic3A_304 = math.exp %logistic3A_303 : vector<64x2048xf32>
      %logistic3A_305 = arith.constant 1.000000e+00 : f32
      %logistic3A_306 = vector.broadcast %logistic3A_305 : f32 to vector<64x2048xf32>
      %logistic3A_307 = arith.addf %logistic3A_306, %logistic3A_304 : vector<64x2048xf32>
      %logistic3A_308 = arith.divf %logistic3A_306, %logistic3A_307 : vector<64x2048xf32>
      %slice3A_309 = vector.extract_strided_slice %add3A_284 {offsets = [128, 0], sizes = [64, 2048], strides = [1, 1]} : vector<192x2048xf32> to vector<64x2048xf32>
      %slice3A_310 = vector.extract_strided_slice %add3A_290 {offsets = [128, 0], sizes = [64, 2048], strides = [1, 1]} : vector<192x2048xf32> to vector<64x2048xf32>
      %mul3A_311 = arith.mulf %logistic3A_299, %slice3A_310 : vector<64x2048xf32>
      %add3A_312 = arith.addf %slice3A_309, %mul3A_311 : vector<64x2048xf32>
      %tanh3A_313 = math.tanh %add3A_312 : vector<64x2048xf32>
      %sub3A_314 = arith.constant 1.000000e+00 : f32
      %sub3A_315 = vector.broadcast %sub3A_314 : f32 to vector<64x2048xf32>
      %sub3A_316 = arith.subf %sub3A_315, %logistic3A_308 : vector<64x2048xf32>
      %mul3A_317 = arith.mulf %sub3A_316, %tanh3A_313 : vector<64x2048xf32>
      %mul3A_318 = arith.mulf %logistic3A_308, %get3A_278 : vector<64x2048xf32>
      %add3A_319 = arith.addf %mul3A_317, %mul3A_318 : vector<64x2048xf32>
      %swap3A_320 = arith.constant 0 : index
      %swap3A_321 = arith.constant 2048 : index
      %swap3A_322 = vector.load %arg21[%swap3A_320, %swap3A_321] : memref<64x4096xf32, #tpu.memory_space<vmem>>, vector<64x2048xf32>
      tpu.vector_store %arg21[%swap3A_320, %swap3A_321], %add3A_319 {strides = array<i32>} : memref<64x4096xf32, #tpu.memory_space<vmem>>, vector<64x2048xf32>,
      %get3A_323 = arith.constant 0 : index
      %get3A_324 = arith.constant 2048 : index
      %get3A_325 = vector.load %arg22[%get3A_323, %get3A_324] : memref<64x4096xf32, #tpu.memory_space<vmem>>, vector<64x2048xf32>
      %convert_element_type3A_326 = arith.truncf %get3A_21 : vector<192x64xf32> to vector<192x64xbf16>
      %convert_element_type3A_327 = arith.truncf %add3A_319 : vector<64x2048xf32> to vector<64x2048xbf16>
      %dot_general3A_328 = arith.constant dense<0.000000e+00> : vector<192x2048xf32>
      %dot_general3A_329 = tpu.matmul %convert_element_type3A_326, %convert_element_type3A_327, %dot_general3A_328 {dimension_numbers = #tpu.dot_dimension_numbers<[1], [0], [0], [1], [0, 0, 1, 1], [], []>, transpose_lhs_hint = false} : vector<192x64xbf16>, vector<64x2048xbf16>, vector<192x2048xf32> -> vector<192x2048xf32>
      %add3A_330 = vector.broadcast %get3A_27 : vector<192x1xf32> to vector<192x2048xf32>
      %add3A_331 = arith.addf %dot_general3A_329, %add3A_330 : vector<192x2048xf32>
      %convert_element_type3A_332 = arith.truncf %get3A_24 : vector<192x64xf32> to vector<192x64xbf16>
      %convert_element_type3A_333 = arith.truncf %get3A_325 : vector<64x2048xf32> to vector<64x2048xbf16>
      %dot_general3A_334 = arith.constant dense<0.000000e+00> : vector<192x2048xf32>
      %dot_general3A_335 = tpu.matmul %convert_element_type3A_332, %convert_element_type3A_333, %dot_general3A_334 {dimension_numbers = #tpu.dot_dimension_numbers<[1], [0], [0], [1], [0, 0, 1, 1], [], []>, transpose_lhs_hint = false} : vector<192x64xbf16>, vector<64x2048xbf16>, vector<192x2048xf32> -> vector<192x2048xf32>
      %add3A_336 = vector.broadcast %get3A_30 : vector<192x1xf32> to vector<192x2048xf32>
      %add3A_337 = arith.addf %dot_general3A_335, %add3A_336 : vector<192x2048xf32>
      %slice3A_338 = vector.extract_strided_slice %add3A_331 {offsets = [0, 0], sizes = [64, 2048], strides = [1, 1]} : vector<192x2048xf32> to vector<64x2048xf32>
      %slice3A_339 = vector.extract_strided_slice %add3A_337 {offsets = [0, 0], sizes = [64, 2048], strides = [1, 1]} : vector<192x2048xf32> to vector<64x2048xf32>
      %add3A_340 = arith.addf %slice3A_338, %slice3A_339 : vector<64x2048xf32>
      %logistic3A_341 = arith.negf %add3A_340 : vector<64x2048xf32>
      %logistic3A_342 = math.exp %logistic3A_341 : vector<64x2048xf32>
      %logistic3A_343 = arith.constant 1.000000e+00 : f32
      %logistic3A_344 = vector.broadcast %logistic3A_343 : f32 to vector<64x2048xf32>
      %logistic3A_345 = arith.addf %logistic3A_344, %logistic3A_342 : vector<64x2048xf32>
      %logistic3A_346 = arith.divf %logistic3A_344, %logistic3A_345 : vector<64x2048xf32>
      %slice3A_347 = vector.extract_strided_slice %add3A_331 {offsets = [64, 0], sizes = [64, 2048], strides = [1, 1]} : vector<192x2048xf32> to vector<64x2048xf32>
      %slice3A_348 = vector.extract_strided_slice %add3A_337 {offsets = [64, 0], sizes = [64, 2048], strides = [1, 1]} : vector<192x2048xf32> to vector<64x2048xf32>
      %add3A_349 = arith.addf %slice3A_347, %slice3A_348 : vector<64x2048xf32>
      %logistic3A_350 = arith.negf %add3A_349 : vector<64x2048xf32>
      %logistic3A_351 = math.exp %logistic3A_350 : vector<64x2048xf32>
      %logistic3A_352 = arith.constant 1.000000e+00 : f32
      %logistic3A_353 = vector.broadcast %logistic3A_352 : f32 to vector<64x2048xf32>
      %logistic3A_354 = arith.addf %logistic3A_353, %logistic3A_351 : vector<64x2048xf32>
      %logistic3A_355 = arith.divf %logistic3A_353, %logistic3A_354 : vector<64x2048xf32>
      %slice3A_356 = vector.extract_strided_slice %add3A_331 {offsets = [128, 0], sizes = [64, 2048], strides = [1, 1]} : vector<192x2048xf32> to vector<64x2048xf32>
      %slice3A_357 = vector.extract_strided_slice %add3A_337 {offsets = [128, 0], sizes = [64, 2048], strides = [1, 1]} : vector<192x2048xf32> to vector<64x2048xf32>
      %mul3A_358 = arith.mulf %logistic3A_346, %slice3A_357 : vector<64x2048xf32>
      %add3A_359 = arith.addf %slice3A_356, %mul3A_358 : vector<64x2048xf32>
      %tanh3A_360 = math.tanh %add3A_359 : vector<64x2048xf32>
      %sub3A_361 = arith.constant 1.000000e+00 : f32
      %sub3A_362 = vector.broadcast %sub3A_361 : f32 to vector<64x2048xf32>
      %sub3A_363 = arith.subf %sub3A_362, %logistic3A_355 : vector<64x2048xf32>
      %mul3A_364 = arith.mulf %sub3A_363, %tanh3A_360 : vector<64x2048xf32>
      %mul3A_365 = arith.mulf %logistic3A_355, %get3A_325 : vector<64x2048xf32>
      %add3A_366 = arith.addf %mul3A_364, %mul3A_365 : vector<64x2048xf32>
      %swap3A_367 = arith.constant 0 : index
      %swap3A_368 = arith.constant 2048 : index
      %swap3A_369 = vector.load %arg22[%swap3A_367, %swap3A_368] : memref<64x4096xf32, #tpu.memory_space<vmem>>, vector<64x2048xf32>
      tpu.vector_store %arg22[%swap3A_367, %swap3A_368], %add3A_366 {strides = array<i32>} : memref<64x4096xf32, #tpu.memory_space<vmem>>, vector<64x2048xf32>,
    }
    %scan3A_34 = arith.constant 60 : i32
    %get3A_35 = arith.constant 0 : index
    %get3A_36 = arith.constant 0 : index
    %get3A_37 = vector.load %arg22[%get3A_35, %get3A_36] : memref<64x4096xf32, #tpu.memory_space<vmem>>, vector<64x4096xf32>
    %transpose3A = tpu.transpose %get3A_37, [1, 0] : vector<64x4096xf32> -> vector<4096x64xf32>
    %broadcast_in_dim3A_38 = arith.constant 1.000000e+00 : f32
    %broadcast_in_dim3A_39 = vector.broadcast %broadcast_in_dim3A_38 : f32 to vector<1x64xf32>
    %get3A_40 = arith.constant 0 : index
    %get3A_41 = arith.constant 0 : index
    %get3A_42 = vector.load %arg1[%get3A_40, %get3A_41] : memref<4096x128xf32, #tpu.memory_space<vmem>>, vector<4096x128xf32>
    %get3A_43 = arith.constant 0 : index
    %get3A_44 = arith.constant 0 : index
    %get3A_45 = vector.load %arg2[%get3A_43, %get3A_44] : memref<4096x1xf32, #tpu.memory_space<vmem>>, vector<4096x1xf32>
    %mul3A = vector.broadcast %get3A_45 : vector<4096x1xf32> to vector<4096x128xf32>
    %mul3A_46 = arith.mulf %get3A_42, %mul3A : vector<4096x128xf32>
    %reduce_sum3A = arith.constant dense<0.000000e+00> : vector<128xf32>
    %reduce_sum3A_47 = vector.multi_reduction <add>, %mul3A_46, %reduce_sum3A [0] : vector<4096x128xf32> to vector<128xf32>
    %broadcast_in_dim3A_48 = vector.shape_cast %reduce_sum3A_47 : vector<128xf32> to vector<1x128xf32>
    %mul3A_49 = vector.broadcast %broadcast_in_dim3A_48 : vector<1x128xf32> to vector<4096x128xf32>
    %mul3A_50 = arith.mulf %mul3A_49, %get3A_42 : vector<4096x128xf32>
    %add3A = arith.constant 1.000000e+00 : f32
    %add3A_51 = vector.broadcast %add3A : f32 to vector<4096x128xf32>
    %add3A_52 = arith.addf %mul3A_50, %add3A_51 : vector<4096x128xf32>
    %div3A = arith.divf %mul3A_46, %add3A_52 : vector<4096x128xf32>
    %convert_element_type3A = arith.truncf %div3A : vector<4096x128xf32> to vector<4096x128xbf16>
    %convert_element_type3A_53 = arith.truncf %transpose3A : vector<4096x64xf32> to vector<4096x64xbf16>
    %dot_general3A = arith.constant dense<0.000000e+00> : vector<128x64xf32>
    %dot_general3A_54 = tpu.matmul %convert_element_type3A, %convert_element_type3A_53, %dot_general3A {dimension_numbers = #tpu.dot_dimension_numbers<[0], [0], [1], [1], [0, 1, 1, 1], [], []>, transpose_lhs_hint = false} : vector<4096x128xbf16>, vector<4096x64xbf16>, vector<128x64xf32> -> vector<128x64xf32>
    %dot_general3A_55 = arith.constant dense<0.000000e+00> : vector<1x128xf32>
    %dot_general3A_56 = tpu.matmul %broadcast_in_dim3A_39, %dot_general3A_54, %dot_general3A_55 {dimension_numbers = #tpu.dot_dimension_numbers<[1], [1], [0], [0], [0, 0, 1, 0], [], []>, precision = #tpu.contract_precision<fp32>, transpose_lhs_hint = false} : vector<1x64xf32>, vector<128x64xf32>, vector<1x128xf32> -> vector<1x128xf32>
    %ne3A = arith.constant 0.000000e+00 : f32
    %ne3A_57 = vector.broadcast %ne3A : f32 to vector<1x128xf32>
    %ne3A_58 = arith.cmpf one, %dot_general3A_56, %ne3A_57 : vector<1x128xf32>
    %convert_element_type3A_59 = arith.truncf %transpose3A : vector<4096x64xf32> to vector<4096x64xbf16>
    %convert_element_type3A_60 = arith.truncf %dot_general3A_54 : vector<128x64xf32> to vector<128x64xbf16>
    %dot_general3A_61 = arith.constant dense<0.000000e+00> : vector<4096x128xf32>
    %dot_general3A_62 = tpu.matmul %convert_element_type3A_59, %convert_element_type3A_60, %dot_general3A_61 {dimension_numbers = #tpu.dot_dimension_numbers<[1], [1], [0], [0], [0, 0, 1, 0], [], []>, transpose_lhs_hint = false} : vector<4096x64xbf16>, vector<128x64xbf16>, vector<4096x128xf32> -> vector<4096x128xf32>
    %reduce_max3A = arith.constant dense<0xFF800000> : vector<128xf32>
    %reduce_max3A_63 = vector.multi_reduction <maximumf>, %dot_general3A_62, %reduce_max3A [0] : vector<4096x128xf32> to vector<128xf32>
    %broadcast_in_dim3A_64 = vector.shape_cast %reduce_max3A_63 : vector<128xf32> to vector<1x128xf32>
    %sub3A = vector.broadcast %broadcast_in_dim3A_64 : vector<1x128xf32> to vector<4096x128xf32>
    %sub3A_65 = arith.subf %dot_general3A_62, %sub3A : vector<4096x128xf32>
    %exp3A = math.exp %sub3A_65 : vector<4096x128xf32>
    %reduce_sum3A_66 = arith.constant dense<0.000000e+00> : vector<128xf32>
    %reduce_sum3A_67 = vector.multi_reduction <add>, %exp3A, %reduce_sum3A_66 [0] : vector<4096x128xf32> to vector<128xf32>
    %broadcast_in_dim3A_68 = vector.shape_cast %reduce_sum3A_67 : vector<128xf32> to vector<1x128xf32>
    %div3A_69 = vector.broadcast %broadcast_in_dim3A_68 : vector<1x128xf32> to vector<4096x128xf32>
    %div3A_70 = arith.divf %exp3A, %div3A_69 : vector<4096x128xf32>
    %convert_element_type3A_71 = arith.truncf %div3A_70 : vector<4096x128xf32> to vector<4096x128xbf16>
    %convert_element_type3A_72 = arith.truncf %transpose3A : vector<4096x64xf32> to vector<4096x64xbf16>
    %dot_general3A_73 = arith.constant dense<0.000000e+00> : vector<128x64xf32>
    %dot_general3A_74 = tpu.matmul %convert_element_type3A_71, %convert_element_type3A_72, %dot_general3A_73 {dimension_numbers = #tpu.dot_dimension_numbers<[0], [0], [1], [1], [0, 1, 1, 1], [], []>, transpose_lhs_hint = false} : vector<4096x128xbf16>, vector<4096x64xbf16>, vector<128x64xf32> -> vector<128x64xf32>
    %convert_element_type3A_75 = arith.truncf %transpose3A : vector<4096x64xf32> to vector<4096x64xbf16>
    %convert_element_type3A_76 = arith.truncf %dot_general3A_74 : vector<128x64xf32> to vector<128x64xbf16>
    %dot_general3A_77 = arith.constant dense<0.000000e+00> : vector<4096x128xf32>
    %dot_general3A_78 = tpu.matmul %convert_element_type3A_75, %convert_element_type3A_76, %dot_general3A_77 {dimension_numbers = #tpu.dot_dimension_numbers<[1], [1], [0], [0], [0, 0, 1, 0], [], []>, transpose_lhs_hint = false} : vector<4096x64xbf16>, vector<128x64xbf16>, vector<4096x128xf32> -> vector<4096x128xf32>
    %mul3A_79 = arith.mulf %transpose3A, %transpose3A : vector<4096x64xf32>
    %reduce_sum3A_80 = arith.constant dense<0.000000e+00> : vector<4096xf32>
    %reduce_sum3A_81 = vector.multi_reduction <add>, %mul3A_79, %reduce_sum3A_80 [1] : vector<4096x64xf32> to vector<4096xf32>
    %broadcast_in_dim3A_82 = vector.shape_cast %reduce_sum3A_81 : vector<4096xf32> to vector<4096x1xf32>
    %sqrt3A = math.sqrt %broadcast_in_dim3A_82 : vector<4096x1xf32>
    %mul3A_83 = arith.mulf %dot_general3A_74, %dot_general3A_74 : vector<128x64xf32>
    %dot_general3A_84 = arith.constant dense<0.000000e+00> : vector<1x128xf32>
    %dot_general3A_85 = tpu.matmul %broadcast_in_dim3A_39, %mul3A_83, %dot_general3A_84 {dimension_numbers = #tpu.dot_dimension_numbers<[1], [1], [0], [0], [0, 0, 1, 0], [], []>, precision = #tpu.contract_precision<fp32>, transpose_lhs_hint = false} : vector<1x64xf32>, vector<128x64xf32>, vector<1x128xf32> -> vector<1x128xf32>
    %sqrt3A_86 = math.sqrt %dot_general3A_85 : vector<1x128xf32>
    %mul3A_87 = vector.broadcast %sqrt3A : vector<4096x1xf32> to vector<4096x128xf32>
    %mul3A_88 = vector.broadcast %sqrt3A_86 : vector<1x128xf32> to vector<4096x128xf32>
    %mul3A_89 = arith.mulf %mul3A_87, %mul3A_88 : vector<4096x128xf32>
    %div3A_90 = arith.divf %dot_general3A_78, %mul3A_89 : vector<4096x128xf32>
    %ne3A_91 = arith.cmpf one, %div3A_90, %div3A_90 : vector<4096x128xf32>
    %jit3A = arith.constant 0.000000e+00 : f32
    %broadcast_in_dim3A_92 = vector.broadcast %jit3A : f32 to vector<4096x128xf32>
    %select_n3A = arith.select %ne3A_91, %broadcast_in_dim3A_92, %div3A_90 : vector<4096x128xi1>, vector<4096x128xf32>
    %jit3A_93 = arith.constant 0xFF800000 : f32
    %broadcast_in_dim3A_94 = vector.shape_cast %ne3A_58 : vector<1x128xi1> to vector<1x128xi1>
    %broadcast_in_dim3A_95 = vector.broadcast %broadcast_in_dim3A_94 : vector<1x128xi1> to vector<4096x128xi1>
    %broadcast_in_dim3A_96 = vector.broadcast %jit3A_93 : f32 to vector<4096x128xf32>
    %select_n3A_97 = arith.select %broadcast_in_dim3A_95, %select_n3A, %broadcast_in_dim3A_96 : vector<4096x128xi1>, vector<4096x128xf32>
    %reduce_max3A_98 = arith.constant dense<0xFF800000> : vector<4096xf32>
    %reduce_max3A_99 = vector.multi_reduction <maximumf>, %select_n3A_97, %reduce_max3A_98 [1] : vector<4096x128xf32> to vector<4096xf32>
    %broadcast_in_dim3A_100 = vector.shape_cast %reduce_max3A_99 : vector<4096xf32> to vector<4096x1xf32>
    %sub3A_101 = vector.broadcast %broadcast_in_dim3A_100 : vector<4096x1xf32> to vector<4096x128xf32>
    %sub3A_102 = arith.subf %select_n3A_97, %sub3A_101 : vector<4096x128xf32>
    %exp3A_103 = math.exp %sub3A_102 : vector<4096x128xf32>
    %reduce_sum3A_104 = arith.constant dense<0.000000e+00> : vector<4096xf32>
    %reduce_sum3A_105 = vector.multi_reduction <add>, %exp3A_103, %reduce_sum3A_104 [1] : vector<4096x128xf32> to vector<4096xf32>
    %broadcast_in_dim3A_106 = vector.shape_cast %reduce_sum3A_105 : vector<4096xf32> to vector<4096x1xf32>
    %div3A_107 = vector.broadcast %broadcast_in_dim3A_106 : vector<4096x1xf32> to vector<4096x128xf32>
    %div3A_108 = arith.divf %exp3A_103, %div3A_107 : vector<4096x128xf32>
    %convert_element_type3A_109 = arith.truncf %div3A_108 : vector<4096x128xf32> to vector<4096x128xbf16>
    %convert_element_type3A_110 = arith.truncf %dot_general3A_74 : vector<128x64xf32> to vector<128x64xbf16>
    %dot_general3A_111 = arith.constant dense<0.000000e+00> : vector<4096x64xf32>
    %dot_general3A_112 = tpu.matmul %convert_element_type3A_109, %convert_element_type3A_110, %dot_general3A_111 {dimension_numbers = #tpu.dot_dimension_numbers<[1], [0], [0], [1], [0, 0, 1, 1], [], []>, transpose_lhs_hint = false} : vector<4096x128xbf16>, vector<128x64xbf16>, vector<4096x64xf32> -> vector<4096x64xf32>
    %get3A_113 = arith.constant 0 : index
    %get3A_114 = arith.constant 0 : index
    %get3A_115 = vector.load %arg11[%get3A_113, %get3A_114] : memref<64x64xf32, #tpu.memory_space<vmem>>, vector<64x64xf32>
    %convert_element_type3A_116 = arith.truncf %dot_general3A_112 : vector<4096x64xf32> to vector<4096x64xbf16>
    %convert_element_type3A_117 = arith.truncf %get3A_115 : vector<64x64xf32> to vector<64x64xbf16>
    %dot_general3A_118 = arith.constant dense<0.000000e+00> : vector<4096x64xf32>
    %dot_general3A_119 = tpu.matmul %convert_element_type3A_116, %convert_element_type3A_117, %dot_general3A_118 {dimension_numbers = #tpu.dot_dimension_numbers<[1], [1], [0], [0], [0, 0, 1, 0], [], []>, transpose_lhs_hint = false} : vector<4096x64xbf16>, vector<64x64xbf16>, vector<4096x64xf32> -> vector<4096x64xf32>
    %get3A_120 = arith.constant 0 : index
    %get3A_121 = arith.constant 0 : index
    %get3A_122 = vector.load %arg12[%get3A_120, %get3A_121] : memref<1x64xf32, #tpu.memory_space<vmem>>, vector<1x64xf32>
    %add3A_123 = vector.broadcast %get3A_122 : vector<1x64xf32> to vector<4096x64xf32>
    %add3A_124 = arith.addf %dot_general3A_119, %add3A_123 : vector<4096x64xf32>
    %get3A_125 = arith.constant 0 : index
    %get3A_126 = arith.constant 0 : index
    %get3A_127 = vector.load %arg15[%get3A_125, %get3A_126] : memref<64x64xf32, #tpu.memory_space<vmem>>, vector<64x64xf32>
    %convert_element_type3A_128 = arith.truncf %add3A_124 : vector<4096x64xf32> to vector<4096x64xbf16>
    %convert_element_type3A_129 = arith.truncf %get3A_127 : vector<64x64xf32> to vector<64x64xbf16>
    %dot_general3A_130 = arith.constant dense<0.000000e+00> : vector<4096x64xf32>
    %dot_general3A_131 = tpu.matmul %convert_element_type3A_128, %convert_element_type3A_129, %dot_general3A_130 {dimension_numbers = #tpu.dot_dimension_numbers<[1], [1], [0], [0], [0, 0, 1, 0], [], []>, transpose_lhs_hint = false} : vector<4096x64xbf16>, vector<64x64xbf16>, vector<4096x64xf32> -> vector<4096x64xf32>
    %get3A_132 = arith.constant 0 : index
    %get3A_133 = arith.constant 0 : index
    %get3A_134 = vector.load %arg16[%get3A_132, %get3A_133] : memref<1x64xf32, #tpu.memory_space<vmem>>, vector<1x64xf32>
    %add3A_135 = vector.broadcast %get3A_134 : vector<1x64xf32> to vector<4096x64xf32>
    %add3A_136 = arith.addf %dot_general3A_131, %add3A_135 : vector<4096x64xf32>
    %get3A_137 = arith.constant 0 : index
    %get3A_138 = arith.constant 0 : index
    %get3A_139 = vector.load %arg13[%get3A_137, %get3A_138] : memref<64x64xf32, #tpu.memory_space<vmem>>, vector<64x64xf32>
    %convert_element_type3A_140 = arith.truncf %add3A_124 : vector<4096x64xf32> to vector<4096x64xbf16>
    %convert_element_type3A_141 = arith.truncf %get3A_139 : vector<64x64xf32> to vector<64x64xbf16>
    %dot_general3A_142 = arith.constant dense<0.000000e+00> : vector<4096x64xf32>
    %dot_general3A_143 = tpu.matmul %convert_element_type3A_140, %convert_element_type3A_141, %dot_general3A_142 {dimension_numbers = #tpu.dot_dimension_numbers<[1], [1], [0], [0], [0, 0, 1, 0], [], []>, transpose_lhs_hint = false} : vector<4096x64xbf16>, vector<64x64xbf16>, vector<4096x64xf32> -> vector<4096x64xf32>
    %get3A_144 = arith.constant 0 : index
    %get3A_145 = arith.constant 0 : index
    %get3A_146 = vector.load %arg14[%get3A_144, %get3A_145] : memref<1x64xf32, #tpu.memory_space<vmem>>, vector<1x64xf32>
    %add3A_147 = vector.broadcast %get3A_146 : vector<1x64xf32> to vector<4096x64xf32>
    %add3A_148 = arith.addf %dot_general3A_143, %add3A_147 : vector<4096x64xf32>
    %ge3A = arith.constant 0.000000e+00 : f32
    %ge3A_149 = vector.broadcast %ge3A : f32 to vector<4096x64xf32>
    %ge3A_150 = arith.cmpf oge, %add3A_148, %ge3A_149 : vector<4096x64xf32>
    %mul3A_151 = arith.constant 0.00999999977 : f32
    %mul3A_152 = vector.broadcast %mul3A_151 : f32 to vector<4096x64xf32>
    %mul3A_153 = arith.mulf %mul3A_152, %add3A_148 : vector<4096x64xf32>
    %select_n3A_154 = arith.select %ge3A_150, %add3A_148, %mul3A_153 : vector<4096x64xi1>, vector<4096x64xf32>
    %swap3A_155 = arith.constant 0 : index
    %swap3A_156 = arith.constant 0 : index
    %swap3A_157 = vector.load %arg18[%swap3A_155, %swap3A_156] : memref<4096x64xf32, #tpu.memory_space<vmem>>, vector<4096x64xf32>
    tpu.vector_store %arg18[%swap3A_155, %swap3A_156], %select_n3A_154 {strides = array<i32>} : memref<4096x64xf32, #tpu.memory_space<vmem>>, vector<4096x64xf32>,
    %sub3A_158 = arith.subf %transpose3A, %add3A_136 : vector<4096x64xf32>
    %swap3A_159 = arith.constant 0 : index
    %swap3A_160 = arith.constant 0 : index
    %swap3A_161 = vector.load %arg17[%swap3A_159, %swap3A_160] : memref<4096x64xf32, #tpu.memory_space<vmem>>, vector<4096x64xf32>
    tpu.vector_store %arg17[%swap3A_159, %swap3A_160], %sub3A_158 {strides = array<i32>} : memref<4096x64xf32, #tpu.memory_space<vmem>>, vector<4096x64xf32>,
    %transpose3A_162 = tpu.transpose %sub3A_158, [1, 0] : vector<4096x64xf32> -> vector<64x4096xf32>
    %mul3A_163 = arith.mulf %transpose3A_162, %transpose3A_162 : vector<64x4096xf32>
    %reduce_sum3A_164 = arith.constant dense<0.000000e+00> : vector<4096xf32>
    %reduce_sum3A_165 = vector.multi_reduction <add>, %mul3A_163, %reduce_sum3A_164 [0] : vector<64x4096xf32> to vector<4096xf32>
    %broadcast_in_dim3A_166 = vector.shape_cast %reduce_sum3A_165 : vector<4096xf32> to vector<1x4096xf32>
    %sqrt3A_167 = math.sqrt %broadcast_in_dim3A_166 : vector<1x4096xf32>
    %iota3A = tpu.iota {dimensions = array<i32: 1>} : vector<256x4096xi32>
    %sub3A_168 = arith.constant 4095 : i32
    %sub3A_169 = vector.broadcast %sub3A_168 : i32 to vector<256x4096xi32>
    %sub3A_170 = arith.subi %sub3A_169, %iota3A : vector<256x4096xi32>
    %convert_element_type3A_171 = arith.sitofp %sub3A_170 : vector<256x4096xi32> to vector<256x4096xf32>
    %scan3A_172 = arith.constant 0 : i32
    %scan3A_173 = arith.constant 16 : i32
    %scan3A_174 = arith.addi %scan3A_172, %scan3A_173 : i32
    %scan3A_175 = arith.constant 1 : i32
    scf.for %scan3A_177 = %scan3A_172 to %scan3A_174 step %scan3A_175  : i32 {
      %mul3A_178 = arith.constant 256 : i32
      %mul3A_179 = arith.muli %scan3A_177, %mul3A_178 : i32
      %get3A_180 = arith.index_cast %mul3A_179 : i32 to index
      %get3A_181 = arith.constant 0 : index
      %get3A_182 = vector.load %arg17[%get3A_180, %get3A_181] : memref<4096x64xf32, #tpu.memory_space<vmem>>, vector<256x64xf32>
      %iota3A_183 = tpu.iota {dimensions = array<i32: 0>} : vector<256x4096xi32>
      %mul3A_184 = arith.constant 256 : i32
      %mul3A_185 = arith.muli %scan3A_177, %mul3A_184 : i32
      %add3A_186 = vector.broadcast %mul3A_185 : i32 to vector<256x4096xi32>
      %add3A_187 = arith.addi %iota3A_183, %add3A_186 : vector<256x4096xi32>
      %convert_element_type3A_188 = arith.truncf %get3A_182 : vector<256x64xf32> to vector<256x64xbf16>
      %convert_element_type3A_189 = arith.truncf %sub3A_158 : vector<4096x64xf32> to vector<4096x64xbf16>
      %dot_general3A_190 = arith.constant dense<0.000000e+00> : vector<256x4096xf32>
      %dot_general3A_191 = tpu.matmul %convert_element_type3A_188, %convert_element_type3A_189, %dot_general3A_190 {dimension_numbers = #tpu.dot_dimension_numbers<[1], [1], [0], [0], [0, 0, 1, 0], [], []>, transpose_lhs_hint = false} : vector<256x64xbf16>, vector<4096x64xbf16>, vector<256x4096xf32> -> vector<256x4096xf32>
      %mul3A_192 = arith.mulf %get3A_182, %get3A_182 : vector<256x64xf32>
      %reduce_sum3A_193 = arith.constant dense<0.000000e+00> : vector<256xf32>
      %reduce_sum3A_194 = vector.multi_reduction <add>, %mul3A_192, %reduce_sum3A_193 [1] : vector<256x64xf32> to vector<256xf32>
      %broadcast_in_dim3A_195 = vector.shape_cast %reduce_sum3A_194 : vector<256xf32> to vector<256x1xf32>
      %sqrt3A_196 = math.sqrt %broadcast_in_dim3A_195 : vector<256x1xf32>
      %mul3A_197 = vector.broadcast %sqrt3A_196 : vector<256x1xf32> to vector<256x4096xf32>
      %mul3A_198 = vector.broadcast %sqrt3A_167 : vector<1x4096xf32> to vector<256x4096xf32>
      %mul3A_199 = arith.mulf %mul3A_197, %mul3A_198 : vector<256x4096xf32>
      %div3A_200 = arith.divf %dot_general3A_191, %mul3A_199 : vector<256x4096xf32>
      %ne3A_201 = arith.cmpf one, %div3A_200, %div3A_200 : vector<256x4096xf32>
      %jit3A_202 = arith.constant 0.000000e+00 : f32
      %broadcast_in_dim3A_203 = vector.broadcast %jit3A_202 : f32 to vector<256x4096xf32>
      %select_n3A_204 = arith.select %ne3A_201, %broadcast_in_dim3A_203, %div3A_200 : vector<256x4096xi1>, vector<256x4096xf32>
      %eq3A = arith.cmpi eq, %iota3A, %add3A_187 : vector<256x4096xi32>
      %jit3A_205 = arith.constant 0.000000e+00 : f32
      %broadcast_in_dim3A_206 = vector.broadcast %jit3A_205 : f32 to vector<256x4096xf32>
      %select_n3A_207 = arith.select %eq3A, %broadcast_in_dim3A_206, %select_n3A_204 : vector<256x4096xi1>, vector<256x4096xf32>
      %iota3A_208 = tpu.iota {dimensions = array<i32: 1>} : vector<256x64xi32>
      %reduce_max3A_209 = arith.constant dense<0xFF800000> : vector<256xf32>
      %reduce_max3A_210 = vector.multi_reduction <maximumf>, %select_n3A_207, %reduce_max3A_209 [1] : vector<256x4096xf32> to vector<256xf32>
      %broadcast_in_dim3A_211 = vector.shape_cast %reduce_max3A_210 : vector<256xf32> to vector<256x1xf32>
      %eq3A_212 = vector.broadcast %broadcast_in_dim3A_211 : vector<256x1xf32> to vector<256x4096xf32>
      %eq3A_213 = arith.cmpf oeq, %select_n3A_207, %eq3A_212 : vector<256x4096xf32>
      %jit3A_214 = arith.constant -1.000000e+00 : f32
      %broadcast_in_dim3A_215 = vector.broadcast %jit3A_214 : f32 to vector<256x4096xf32>
      %select_n3A_216 = arith.select %eq3A_213, %convert_element_type3A_171, %broadcast_in_dim3A_215 : vector<256x4096xi1>, vector<256x4096xf32>
      %reduce_max3A_217 = arith.constant dense<0xFF800000> : vector<256xf32>
      %reduce_max3A_218 = vector.multi_reduction <maximumf>, %select_n3A_216, %reduce_max3A_217 [1] : vector<256x4096xf32> to vector<256xf32>
      %broadcast_in_dim3A_219 = vector.shape_cast %reduce_max3A_218 : vector<256xf32> to vector<256x1xf32>
      %convert_element_type3A_220 = arith.fptosi %broadcast_in_dim3A_219 : vector<256x1xf32> to vector<256x1xi32>
      %sub3A_221 = arith.constant 4095 : i32
      %sub3A_222 = vector.broadcast %sub3A_221 : i32 to vector<256x1xi32>
      %sub3A_223 = arith.subi %sub3A_222, %convert_element_type3A_220 : vector<256x1xi32>
      %convert_element_type3A_224 = arith.truncf %broadcast_in_dim3A_211 : vector<256x1xf32> to vector<256x1xbf16>
      %convert_element_type3A_225 = arith.extf %convert_element_type3A_224 : vector<256x1xbf16> to vector<256x1xf32>
      %convert_element_type3A_226 = arith.truncf %get3A_182 : vector<256x64xf32> to vector<256x64xbf16>
      %convert_element_type3A_227 = arith.extf %convert_element_type3A_226 : vector<256x64xbf16> to vector<256x64xf32>
      %mul3A_228 = vector.broadcast %convert_element_type3A_225 : vector<256x1xf32> to vector<256x64xf32>
      %mul3A_229 = arith.mulf %mul3A_228, %convert_element_type3A_227 : vector<256x64xf32>
      %eq3A_230 = arith.constant 0 : i32
      %eq3A_231 = vector.broadcast %eq3A_230 : i32 to vector<256x64xi32>
      %eq3A_232 = arith.cmpi eq, %iota3A_208, %eq3A_231 : vector<256x64xi32>
      %jit3A_233 = arith.constant 0.000000e+00 : f32
      %broadcast_in_dim3A_234 = vector.shape_cast %broadcast_in_dim3A_211 : vector<256x1xf32> to vector<256x1xf32>
      %broadcast_in_dim3A_235 = vector.broadcast %broadcast_in_dim3A_234 : vector<256x1xf32> to vector<256x64xf32>
      %broadcast_in_dim3A_236 = vector.broadcast %jit3A_233 : f32 to vector<256x64xf32>
      %select_n3A_237 = arith.select %eq3A_232, %broadcast_in_dim3A_235, %broadcast_in_dim3A_236 : vector<256x64xi1>, vector<256x64xf32>
      %concatenate3A = tpu.concatenate %mul3A_229, %select_n3A_237 in 1 : vector<256x64xf32>, vector<256x64xf32> -> vector<256x128xf32>
      %mul3A_238 = arith.constant 256 : i32
      %mul3A_239 = arith.muli %scan3A_177, %mul3A_238 : i32
      %swap3A_240 = arith.constant 0 : index
      %swap3A_241 = arith.index_cast %mul3A_239 : i32 to index
      %swap3A_242 = arith.constant 0 : index
      %swap3A_243 = vector.load %arg19[%swap3A_240, %swap3A_241, %swap3A_242] : memref<3x4096x128xf32, #tpu.memory_space<vmem>>, vector<1x256x128xf32>
      %swap3A_244 = vector.shape_cast %swap3A_243 : vector<1x256x128xf32> to vector<256x128xf32>
      %swap3A_245 = vector.shape_cast %concatenate3A : vector<256x128xf32> to vector<1x256x128xf32>
      tpu.vector_store %arg19[%swap3A_240, %swap3A_241, %swap3A_242], %swap3A_245 {strides = array<i32>} : memref<3x4096x128xf32, #tpu.memory_space<vmem>>, vector<1x256x128xf32>,
      %mul3A_246 = arith.constant 256 : i32
      %mul3A_247 = arith.muli %scan3A_177, %mul3A_246 : i32
      %swap3A_248 = arith.constant 0 : index
      %swap3A_249 = arith.index_cast %mul3A_247 : i32 to index
      %swap3A_250 = arith.constant 0 : index
      %swap3A_251 = vector.load %arg20[%swap3A_248, %swap3A_249, %swap3A_250] : memref<3x4096x1xi32, #tpu.memory_space<vmem>>, vector<1x256x1xi32>
      %swap3A_252 = vector.shape_cast %swap3A_251 : vector<1x256x1xi32> to vector<256x1xi32>
      %swap3A_253 = vector.shape_cast %sub3A_223 : vector<256x1xi32> to vector<1x256x1xi32>
      tpu.vector_store %arg20[%swap3A_248, %swap3A_249, %swap3A_250], %swap3A_253 {strides = array<i32>} : memref<3x4096x1xi32, #tpu.memory_space<vmem>>, vector<1x256x1xi32>,
      %eq3A_254 = vector.broadcast %sub3A_223 : vector<256x1xi32> to vector<256x4096xi32>
      %eq3A_255 = arith.cmpi eq, %iota3A, %eq3A_254 : vector<256x4096xi32>
      %jit3A_256 = arith.constant 0xFF800000 : f32
      %broadcast_in_dim3A_257 = vector.broadcast %jit3A_256 : f32 to vector<256x4096xf32>
      %select_n3A_258 = arith.select %eq3A_255, %broadcast_in_dim3A_257, %select_n3A_207 : vector<256x4096xi1>, vector<256x4096xf32>
      %reduce_max3A_259 = arith.constant dense<0xFF800000> : vector<256xf32>
      %reduce_max3A_260 = vector.multi_reduction <maximumf>, %select_n3A_258, %reduce_max3A_259 [1] : vector<256x4096xf32> to vector<256xf32>
      %broadcast_in_dim3A_261 = vector.shape_cast %reduce_max3A_260 : vector<256xf32> to vector<256x1xf32>
      %eq3A_262 = vector.broadcast %broadcast_in_dim3A_261 : vector<256x1xf32> to vector<256x4096xf32>
      %eq3A_263 = arith.cmpf oeq, %select_n3A_258, %eq3A_262 : vector<256x4096xf32>
      %jit3A_264 = arith.constant -1.000000e+00 : f32
      %broadcast_in_dim3A_265 = vector.broadcast %jit3A_264 : f32 to vector<256x4096xf32>
      %select_n3A_266 = arith.select %eq3A_263, %convert_element_type3A_171, %broadcast_in_dim3A_265 : vector<256x4096xi1>, vector<256x4096xf32>
      %reduce_max3A_267 = arith.constant dense<0xFF800000> : vector<256xf32>
      %reduce_max3A_268 = vector.multi_reduction <maximumf>, %select_n3A_266, %reduce_max3A_267 [1] : vector<256x4096xf32> to vector<256xf32>
      %broadcast_in_dim3A_269 = vector.shape_cast %reduce_max3A_268 : vector<256xf32> to vector<256x1xf32>
      %convert_element_type3A_270 = arith.fptosi %broadcast_in_dim3A_269 : vector<256x1xf32> to vector<256x1xi32>
      %sub3A_271 = arith.constant 4095 : i32
      %sub3A_272 = vector.broadcast %sub3A_271 : i32 to vector<256x1xi32>
      %sub3A_273 = arith.subi %sub3A_272, %convert_element_type3A_270 : vector<256x1xi32>
      %convert_element_type3A_274 = arith.truncf %broadcast_in_dim3A_261 : vector<256x1xf32> to vector<256x1xbf16>
      %convert_element_type3A_275 = arith.extf %convert_element_type3A_274 : vector<256x1xbf16> to vector<256x1xf32>
      %convert_element_type3A_276 = arith.truncf %get3A_182 : vector<256x64xf32> to vector<256x64xbf16>
      %convert_element_type3A_277 = arith.extf %convert_element_type3A_276 : vector<256x64xbf16> to vector<256x64xf32>
      %mul3A_278 = vector.broadcast %convert_element_type3A_275 : vector<256x1xf32> to vector<256x64xf32>
      %mul3A_279 = arith.mulf %mul3A_278, %convert_element_type3A_277 : vector<256x64xf32>
      %eq3A_280 = arith.constant 0 : i32
      %eq3A_281 = vector.broadcast %eq3A_280 : i32 to vector<256x64xi32>
      %eq3A_282 = arith.cmpi eq, %iota3A_208, %eq3A_281 : vector<256x64xi32>
      %jit3A_283 = arith.constant 0.000000e+00 : f32
      %broadcast_in_dim3A_284 = vector.shape_cast %broadcast_in_dim3A_261 : vector<256x1xf32> to vector<256x1xf32>
      %broadcast_in_dim3A_285 = vector.broadcast %broadcast_in_dim3A_284 : vector<256x1xf32> to vector<256x64xf32>
      %broadcast_in_dim3A_286 = vector.broadcast %jit3A_283 : f32 to vector<256x64xf32>
      %select_n3A_287 = arith.select %eq3A_282, %broadcast_in_dim3A_285, %broadcast_in_dim3A_286 : vector<256x64xi1>, vector<256x64xf32>
      %concatenate3A_288 = tpu.concatenate %mul3A_279, %select_n3A_287 in 1 : vector<256x64xf32>, vector<256x64xf32> -> vector<256x128xf32>
      %mul3A_289 = arith.constant 256 : i32
      %mul3A_290 = arith.muli %scan3A_177, %mul3A_289 : i32
      %swap3A_291 = arith.constant 1 : index
      %swap3A_292 = arith.index_cast %mul3A_290 : i32 to index
      %swap3A_293 = arith.constant 0 : index
      %swap3A_294 = vector.load %arg19[%swap3A_291, %swap3A_292, %swap3A_293] : memref<3x4096x128xf32, #tpu.memory_space<vmem>>, vector<1x256x128xf32>
      %swap3A_295 = vector.shape_cast %swap3A_294 : vector<1x256x128xf32> to vector<256x128xf32>
      %swap3A_296 = vector.shape_cast %concatenate3A_288 : vector<256x128xf32> to vector<1x256x128xf32>
      tpu.vector_store %arg19[%swap3A_291, %swap3A_292, %swap3A_293], %swap3A_296 {strides = array<i32>} : memref<3x4096x128xf32, #tpu.memory_space<vmem>>, vector<1x256x128xf32>,
      %mul3A_297 = arith.constant 256 : i32
      %mul3A_298 = arith.muli %scan3A_177, %mul3A_297 : i32
      %swap3A_299 = arith.constant 1 : index
      %swap3A_300 = arith.index_cast %mul3A_298 : i32 to index
      %swap3A_301 = arith.constant 0 : index
      %swap3A_302 = vector.load %arg20[%swap3A_299, %swap3A_300, %swap3A_301] : memref<3x4096x1xi32, #tpu.memory_space<vmem>>, vector<1x256x1xi32>
      %swap3A_303 = vector.shape_cast %swap3A_302 : vector<1x256x1xi32> to vector<256x1xi32>
      %swap3A_304 = vector.shape_cast %sub3A_273 : vector<256x1xi32> to vector<1x256x1xi32>
      tpu.vector_store %arg20[%swap3A_299, %swap3A_300, %swap3A_301], %swap3A_304 {strides = array<i32>} : memref<3x4096x1xi32, #tpu.memory_space<vmem>>, vector<1x256x1xi32>,
      %eq3A_305 = vector.broadcast %sub3A_273 : vector<256x1xi32> to vector<256x4096xi32>
      %eq3A_306 = arith.cmpi eq, %iota3A, %eq3A_305 : vector<256x4096xi32>
      %jit3A_307 = arith.constant 0xFF800000 : f32
      %broadcast_in_dim3A_308 = vector.broadcast %jit3A_307 : f32 to vector<256x4096xf32>
      %select_n3A_309 = arith.select %eq3A_306, %broadcast_in_dim3A_308, %select_n3A_258 : vector<256x4096xi1>, vector<256x4096xf32>
      %reduce_max3A_310 = arith.constant dense<0xFF800000> : vector<256xf32>
      %reduce_max3A_311 = vector.multi_reduction <maximumf>, %select_n3A_309, %reduce_max3A_310 [1] : vector<256x4096xf32> to vector<256xf32>
      %broadcast_in_dim3A_312 = vector.shape_cast %reduce_max3A_311 : vector<256xf32> to vector<256x1xf32>
      %eq3A_313 = vector.broadcast %broadcast_in_dim3A_312 : vector<256x1xf32> to vector<256x4096xf32>
      %eq3A_314 = arith.cmpf oeq, %select_n3A_309, %eq3A_313 : vector<256x4096xf32>
      %jit3A_315 = arith.constant -1.000000e+00 : f32
      %broadcast_in_dim3A_316 = vector.broadcast %jit3A_315 : f32 to vector<256x4096xf32>
      %select_n3A_317 = arith.select %eq3A_314, %convert_element_type3A_171, %broadcast_in_dim3A_316 : vector<256x4096xi1>, vector<256x4096xf32>
      %reduce_max3A_318 = arith.constant dense<0xFF800000> : vector<256xf32>
      %reduce_max3A_319 = vector.multi_reduction <maximumf>, %select_n3A_317, %reduce_max3A_318 [1] : vector<256x4096xf32> to vector<256xf32>
      %broadcast_in_dim3A_320 = vector.shape_cast %reduce_max3A_319 : vector<256xf32> to vector<256x1xf32>
      %convert_element_type3A_321 = arith.fptosi %broadcast_in_dim3A_320 : vector<256x1xf32> to vector<256x1xi32>
      %sub3A_322 = arith.constant 4095 : i32
      %sub3A_323 = vector.broadcast %sub3A_322 : i32 to vector<256x1xi32>
      %sub3A_324 = arith.subi %sub3A_323, %convert_element_type3A_321 : vector<256x1xi32>
      %convert_element_type3A_325 = arith.truncf %broadcast_in_dim3A_312 : vector<256x1xf32> to vector<256x1xbf16>
      %convert_element_type3A_326 = arith.extf %convert_element_type3A_325 : vector<256x1xbf16> to vector<256x1xf32>
      %convert_element_type3A_327 = arith.truncf %get3A_182 : vector<256x64xf32> to vector<256x64xbf16>
      %convert_element_type3A_328 = arith.extf %convert_element_type3A_327 : vector<256x64xbf16> to vector<256x64xf32>
      %mul3A_329 = vector.broadcast %convert_element_type3A_326 : vector<256x1xf32> to vector<256x64xf32>
      %mul3A_330 = arith.mulf %mul3A_329, %convert_element_type3A_328 : vector<256x64xf32>
      %eq3A_331 = arith.constant 0 : i32
      %eq3A_332 = vector.broadcast %eq3A_331 : i32 to vector<256x64xi32>
      %eq3A_333 = arith.cmpi eq, %iota3A_208, %eq3A_332 : vector<256x64xi32>
      %jit3A_334 = arith.constant 0.000000e+00 : f32
      %broadcast_in_dim3A_335 = vector.shape_cast %broadcast_in_dim3A_312 : vector<256x1xf32> to vector<256x1xf32>
      %broadcast_in_dim3A_336 = vector.broadcast %broadcast_in_dim3A_335 : vector<256x1xf32> to vector<256x64xf32>
      %broadcast_in_dim3A_337 = vector.broadcast %jit3A_334 : f32 to vector<256x64xf32>
      %select_n3A_338 = arith.select %eq3A_333, %broadcast_in_dim3A_336, %broadcast_in_dim3A_337 : vector<256x64xi1>, vector<256x64xf32>
      %concatenate3A_339 = tpu.concatenate %mul3A_330, %select_n3A_338 in 1 : vector<256x64xf32>, vector<256x64xf32> -> vector<256x128xf32>
      %mul3A_340 = arith.constant 256 : i32
      %mul3A_341 = arith.muli %scan3A_177, %mul3A_340 : i32
      %swap3A_342 = arith.constant 2 : index
      %swap3A_343 = arith.index_cast %mul3A_341 : i32 to index
      %swap3A_344 = arith.constant 0 : index
      %swap3A_345 = vector.load %arg19[%swap3A_342, %swap3A_343, %swap3A_344] : memref<3x4096x128xf32, #tpu.memory_space<vmem>>, vector<1x256x128xf32>
      %swap3A_346 = vector.shape_cast %swap3A_345 : vector<1x256x128xf32> to vector<256x128xf32>
      %swap3A_347 = vector.shape_cast %concatenate3A_339 : vector<256x128xf32> to vector<1x256x128xf32>
      tpu.vector_store %arg19[%swap3A_342, %swap3A_343, %swap3A_344], %swap3A_347 {strides = array<i32>} : memref<3x4096x128xf32, #tpu.memory_space<vmem>>, vector<1x256x128xf32>,
      %mul3A_348 = arith.constant 256 : i32
      %mul3A_349 = arith.muli %scan3A_177, %mul3A_348 : i32
      %swap3A_350 = arith.constant 2 : index
      %swap3A_351 = arith.index_cast %mul3A_349 : i32 to index
      %swap3A_352 = arith.constant 0 : index
      %swap3A_353 = vector.load %arg20[%swap3A_350, %swap3A_351, %swap3A_352] : memref<3x4096x1xi32, #tpu.memory_space<vmem>>, vector<1x256x1xi32>
      %swap3A_354 = vector.shape_cast %swap3A_353 : vector<1x256x1xi32> to vector<256x1xi32>
      %swap3A_355 = vector.shape_cast %sub3A_324 : vector<256x1xi32> to vector<1x256x1xi32>
      tpu.vector_store %arg20[%swap3A_350, %swap3A_351, %swap3A_352], %swap3A_355 {strides = array<i32>} : memref<3x4096x1xi32, #tpu.memory_space<vmem>>, vector<1x256x1xi32>,
    }
    %scan3A_176 = arith.constant 16 : i32
    return
  }
}

module attributes {stable_mosaic.version = 14 : i64} {
  func.func @_decode_body(%arg0: memref<8192x128xf32, #tpu.memory_space<vmem>>, %arg1: memref<4096x64xf32, #tpu.memory_space<vmem>>, %arg2: memref<4096x64xf32, #tpu.memory_space<vmem>>, %arg3: memref<64x64xf32, #tpu.memory_space<vmem>>, %arg4: memref<1x64xf32, #tpu.memory_space<vmem>>, %arg5: memref<64x64xf32, #tpu.memory_space<vmem>>, %arg6: memref<1x64xf32, #tpu.memory_space<vmem>>, %arg7: memref<64x64xf32, #tpu.memory_space<vmem>>, %arg8: memref<1x64xf32, #tpu.memory_space<vmem>>, %arg9: memref<64x64xf32, #tpu.memory_space<vmem>>, %arg10: memref<1x64xf32, #tpu.memory_space<vmem>>, %arg11: memref<1x64xf32, #tpu.memory_space<vmem>>, %arg12: memref<4096x1xf32, #tpu.memory_space<vmem>>) attributes {dimension_semantics = [], scalar_prefetch = 0 : i64, scratch_operands = 0 : i64, tpu.core_type = #tpu.core_type<tc>} {
    %broadcast_in_dim3A = arith.constant 1.000000e+00 : f32
    %broadcast_in_dim3A_0 = vector.broadcast %broadcast_in_dim3A : f32 to vector<1x64xf32>
    %get3A = arith.constant 0 : index
    %get3A_1 = arith.constant 0 : index
    %get3A_2 = vector.load %arg0[%get3A, %get3A_1] : memref<8192x128xf32, #tpu.memory_space<vmem>>, vector<4096x64xf32>
    %get3A_3 = arith.constant 4096 : index
    %get3A_4 = arith.constant 0 : index
    %get3A_5 = vector.load %arg0[%get3A_3, %get3A_4] : memref<8192x128xf32, #tpu.memory_space<vmem>>, vector<4096x64xf32>
    %add3A = arith.addf %get3A_2, %get3A_5 : vector<4096x64xf32>
    %get3A_6 = arith.constant 0 : index
    %get3A_7 = arith.constant 64 : index
    %get3A_8 = vector.load %arg0[%get3A_6, %get3A_7] : memref<8192x128xf32, #tpu.memory_space<vmem>>, vector<4096x1xf32>
    %get3A_9 = arith.constant 4096 : index
    %get3A_10 = arith.constant 64 : index
    %get3A_11 = vector.load %arg0[%get3A_9, %get3A_10] : memref<8192x128xf32, #tpu.memory_space<vmem>>, vector<4096x1xf32>
    %add3A_12 = arith.addf %get3A_8, %get3A_11 : vector<4096x1xf32>
    %get3A_13 = arith.constant 0 : index
    %get3A_14 = arith.constant 0 : index
    %get3A_15 = vector.load %arg1[%get3A_13, %get3A_14] : memref<4096x64xf32, #tpu.memory_space<vmem>>, vector<4096x64xf32>
    %mul3A = arith.mulf %get3A_15, %get3A_15 : vector<4096x64xf32>
    %reduce_sum3A = arith.constant dense<0.000000e+00> : vector<4096xf32>
    %reduce_sum3A_16 = vector.multi_reduction <add>, %mul3A, %reduce_sum3A [1] : vector<4096x64xf32> to vector<4096xf32>
    %broadcast_in_dim3A_17 = vector.shape_cast %reduce_sum3A_16 : vector<4096xf32> to vector<4096x1xf32>
    %sqrt3A = math.sqrt %broadcast_in_dim3A_17 : vector<4096x1xf32>
    %mul3A_18 = arith.mulf %sqrt3A, %sqrt3A : vector<4096x1xf32>
    %div3A = arith.divf %broadcast_in_dim3A_17, %mul3A_18 : vector<4096x1xf32>
    %ne3A = arith.cmpf one, %div3A, %div3A : vector<4096x1xf32>
    %jit3A = arith.constant 0.000000e+00 : f32
    %broadcast_in_dim3A_19 = vector.broadcast %jit3A : f32 to vector<4096x1xf32>
    %select_n3A = arith.select %ne3A, %broadcast_in_dim3A_19, %div3A : vector<4096x1xi1>, vector<4096x1xf32>
    %ne3A_20 = arith.constant 0.000000e+00 : f32
    %ne3A_21 = vector.broadcast %ne3A_20 : f32 to vector<4096x1xf32>
    %ne3A_22 = arith.cmpf one, %add3A_12, %ne3A_21 : vector<4096x1xf32>
    %jit3A_23 = arith.constant 0.000000e+00 : f32
    %broadcast_in_dim3A_24 = vector.broadcast %jit3A_23 : f32 to vector<4096x1xf32>
    %select_n3A_25 = arith.select %ne3A_22, %select_n3A, %broadcast_in_dim3A_24 : vector<4096x1xi1>, vector<4096x1xf32>
    %convert_element_type3A = arith.truncf %select_n3A_25 : vector<4096x1xf32> to vector<4096x1xbf16>
    %convert_element_type3A_26 = arith.extf %convert_element_type3A : vector<4096x1xbf16> to vector<4096x1xf32>
    %convert_element_type3A_27 = arith.truncf %get3A_15 : vector<4096x64xf32> to vector<4096x64xbf16>
    %convert_element_type3A_28 = arith.extf %convert_element_type3A_27 : vector<4096x64xbf16> to vector<4096x64xf32>
    %mul3A_29 = vector.broadcast %convert_element_type3A_26 : vector<4096x1xf32> to vector<4096x64xf32>
    %mul3A_30 = arith.mulf %mul3A_29, %convert_element_type3A_28 : vector<4096x64xf32>
    %add3A_31 = arith.addf %add3A, %mul3A_30 : vector<4096x64xf32>
    %dot_general3A = arith.constant dense<0.000000e+00> : vector<1x4096xf32>
    %dot_general3A_32 = tpu.matmul %broadcast_in_dim3A_0, %add3A_31, %dot_general3A {dimension_numbers = #tpu.dot_dimension_numbers<[1], [1], [0], [0], [0, 0, 1, 0], [], []>, precision = #tpu.contract_precision<fp32>, transpose_lhs_hint = false} : vector<1x64xf32>, vector<4096x64xf32>, vector<1x4096xf32> -> vector<1x4096xf32>
    %ne3A_33 = arith.constant 0.000000e+00 : f32
    %ne3A_34 = vector.broadcast %ne3A_33 : f32 to vector<1x4096xf32>
    %ne3A_35 = arith.cmpf one, %dot_general3A_32, %ne3A_34 : vector<1x4096xf32>
    %mul3A_36 = arith.mulf %add3A_31, %add3A_31 : vector<4096x64xf32>
    %dot_general3A_37 = arith.constant dense<0.000000e+00> : vector<1x4096xf32>
    %dot_general3A_38 = tpu.matmul %broadcast_in_dim3A_0, %mul3A_36, %dot_general3A_37 {dimension_numbers = #tpu.dot_dimension_numbers<[1], [1], [0], [0], [0, 0, 1, 0], [], []>, precision = #tpu.contract_precision<fp32>, transpose_lhs_hint = false} : vector<1x64xf32>, vector<4096x64xf32>, vector<1x4096xf32> -> vector<1x4096xf32>
    %sqrt3A_39 = math.sqrt %dot_general3A_38 : vector<1x4096xf32>
    %get3A_40 = arith.constant 0 : index
    %get3A_41 = arith.constant 0 : index
    %get3A_42 = vector.load %arg3[%get3A_40, %get3A_41] : memref<64x64xf32, #tpu.memory_space<vmem>>, vector<64x64xf32>
    %get3A_43 = arith.constant 0 : index
    %get3A_44 = arith.constant 0 : index
    %get3A_45 = vector.load %arg5[%get3A_43, %get3A_44] : memref<64x64xf32, #tpu.memory_space<vmem>>, vector<64x64xf32>
    %get3A_46 = arith.constant 0 : index
    %get3A_47 = arith.constant 0 : index
    %get3A_48 = vector.load %arg7[%get3A_46, %get3A_47] : memref<64x64xf32, #tpu.memory_space<vmem>>, vector<64x64xf32>
    %get3A_49 = arith.constant 0 : index
    %get3A_50 = arith.constant 0 : index
    %get3A_51 = vector.load %arg9[%get3A_49, %get3A_50] : memref<64x64xf32, #tpu.memory_space<vmem>>, vector<64x64xf32>
    %get3A_52 = arith.constant 0 : index
    %get3A_53 = arith.constant 0 : index
    %get3A_54 = vector.load %arg11[%get3A_52, %get3A_53] : memref<1x64xf32, #tpu.memory_space<vmem>>, vector<1x64xf32>
    %scan3A = arith.constant 0 : i32
    %scan3A_55 = arith.constant 16 : i32
    %scan3A_56 = arith.addi %scan3A, %scan3A_55 : i32
    %scan3A_57 = arith.constant 1 : i32
    scf.for %scan3A_59 = %scan3A to %scan3A_56 step %scan3A_57  : i32 {
      %mul3A_60 = arith.constant 256 : i32
      %mul3A_61 = arith.muli %scan3A_59, %mul3A_60 : i32
      %get3A_62 = arith.index_cast %mul3A_61 : i32 to index
      %get3A_63 = arith.constant 0 : index
      %get3A_64 = vector.load %arg1[%get3A_62, %get3A_63] : memref<4096x64xf32, #tpu.memory_space<vmem>>, vector<256x64xf32>
      %convert_element_type3A_65 = arith.truncf %get3A_64 : vector<256x64xf32> to vector<256x64xbf16>
      %convert_element_type3A_66 = arith.truncf %add3A_31 : vector<4096x64xf32> to vector<4096x64xbf16>
      %dot_general3A_67 = arith.constant dense<0.000000e+00> : vector<256x4096xf32>
      %dot_general3A_68 = tpu.matmul %convert_element_type3A_65, %convert_element_type3A_66, %dot_general3A_67 {dimension_numbers = #tpu.dot_dimension_numbers<[1], [1], [0], [0], [0, 0, 1, 0], [], []>, transpose_lhs_hint = false} : vector<256x64xbf16>, vector<4096x64xbf16>, vector<256x4096xf32> -> vector<256x4096xf32>
      %mul3A_69 = arith.mulf %get3A_64, %get3A_64 : vector<256x64xf32>
      %reduce_sum3A_70 = arith.constant dense<0.000000e+00> : vector<256xf32>
      %reduce_sum3A_71 = vector.multi_reduction <add>, %mul3A_69, %reduce_sum3A_70 [1] : vector<256x64xf32> to vector<256xf32>
      %broadcast_in_dim3A_72 = vector.shape_cast %reduce_sum3A_71 : vector<256xf32> to vector<256x1xf32>
      %sqrt3A_73 = math.sqrt %broadcast_in_dim3A_72 : vector<256x1xf32>
      %mul3A_74 = vector.broadcast %sqrt3A_73 : vector<256x1xf32> to vector<256x4096xf32>
      %mul3A_75 = vector.broadcast %sqrt3A_39 : vector<1x4096xf32> to vector<256x4096xf32>
      %mul3A_76 = arith.mulf %mul3A_74, %mul3A_75 : vector<256x4096xf32>
      %div3A_77 = arith.divf %dot_general3A_68, %mul3A_76 : vector<256x4096xf32>
      %ne3A_78 = arith.cmpf one, %div3A_77, %div3A_77 : vector<256x4096xf32>
      %jit3A_79 = arith.constant 0.000000e+00 : f32
      %broadcast_in_dim3A_80 = vector.broadcast %jit3A_79 : f32 to vector<256x4096xf32>
      %select_n3A_81 = arith.select %ne3A_78, %broadcast_in_dim3A_80, %div3A_77 : vector<256x4096xi1>, vector<256x4096xf32>
      %jit3A_82 = arith.constant 0xFF800000 : f32
      %broadcast_in_dim3A_83 = vector.shape_cast %ne3A_35 : vector<1x4096xi1> to vector<1x4096xi1>
      %broadcast_in_dim3A_84 = vector.broadcast %broadcast_in_dim3A_83 : vector<1x4096xi1> to vector<256x4096xi1>
      %broadcast_in_dim3A_85 = vector.broadcast %jit3A_82 : f32 to vector<256x4096xf32>
      %select_n3A_86 = arith.select %broadcast_in_dim3A_84, %select_n3A_81, %broadcast_in_dim3A_85 : vector<256x4096xi1>, vector<256x4096xf32>
      %reduce_max3A = arith.constant dense<0xFF800000> : vector<256xf32>
      %reduce_max3A_87 = vector.multi_reduction <maximumf>, %select_n3A_86, %reduce_max3A [1] : vector<256x4096xf32> to vector<256xf32>
      %broadcast_in_dim3A_88 = vector.shape_cast %reduce_max3A_87 : vector<256xf32> to vector<256x1xf32>
      %sub3A = vector.broadcast %broadcast_in_dim3A_88 : vector<256x1xf32> to vector<256x4096xf32>
      %sub3A_89 = arith.subf %select_n3A_86, %sub3A : vector<256x4096xf32>
      %exp3A = math.exp %sub3A_89 : vector<256x4096xf32>
      %reduce_sum3A_90 = arith.constant dense<0.000000e+00> : vector<256xf32>
      %reduce_sum3A_91 = vector.multi_reduction <add>, %exp3A, %reduce_sum3A_90 [1] : vector<256x4096xf32> to vector<256xf32>
      %broadcast_in_dim3A_92 = vector.shape_cast %reduce_sum3A_91 : vector<256xf32> to vector<256x1xf32>
      %div3A_93 = vector.broadcast %broadcast_in_dim3A_92 : vector<256x1xf32> to vector<256x4096xf32>
      %div3A_94 = arith.divf %exp3A, %div3A_93 : vector<256x4096xf32>
      %convert_element_type3A_95 = arith.truncf %div3A_94 : vector<256x4096xf32> to vector<256x4096xbf16>
      %convert_element_type3A_96 = arith.truncf %add3A_31 : vector<4096x64xf32> to vector<4096x64xbf16>
      %dot_general3A_97 = arith.constant dense<0.000000e+00> : vector<256x64xf32>
      %dot_general3A_98 = tpu.matmul %convert_element_type3A_95, %convert_element_type3A_96, %dot_general3A_97 {dimension_numbers = #tpu.dot_dimension_numbers<[1], [0], [0], [1], [0, 0, 1, 1], [], []>, transpose_lhs_hint = false} : vector<256x4096xbf16>, vector<4096x64xbf16>, vector<256x64xf32> -> vector<256x64xf32>
      %convert_element_type3A_99 = arith.truncf %dot_general3A_98 : vector<256x64xf32> to vector<256x64xbf16>
      %convert_element_type3A_100 = arith.truncf %get3A_42 : vector<64x64xf32> to vector<64x64xbf16>
      %dot_general3A_101 = arith.constant dense<0.000000e+00> : vector<256x64xf32>
      %dot_general3A_102 = tpu.matmul %convert_element_type3A_99, %convert_element_type3A_100, %dot_general3A_101 {dimension_numbers = #tpu.dot_dimension_numbers<[1], [1], [0], [0], [0, 0, 1, 0], [], []>, transpose_lhs_hint = false} : vector<256x64xbf16>, vector<64x64xbf16>, vector<256x64xf32> -> vector<256x64xf32>
      %get3A_103 = arith.constant 0 : index
      %get3A_104 = arith.constant 0 : index
      %get3A_105 = vector.load %arg4[%get3A_103, %get3A_104] : memref<1x64xf32, #tpu.memory_space<vmem>>, vector<1x64xf32>
      %add3A_106 = vector.broadcast %get3A_105 : vector<1x64xf32> to vector<256x64xf32>
      %add3A_107 = arith.addf %dot_general3A_102, %add3A_106 : vector<256x64xf32>
      %convert_element_type3A_108 = arith.truncf %add3A_107 : vector<256x64xf32> to vector<256x64xbf16>
      %convert_element_type3A_109 = arith.truncf %get3A_45 : vector<64x64xf32> to vector<64x64xbf16>
      %dot_general3A_110 = arith.constant dense<0.000000e+00> : vector<256x64xf32>
      %dot_general3A_111 = tpu.matmul %convert_element_type3A_108, %convert_element_type3A_109, %dot_general3A_110 {dimension_numbers = #tpu.dot_dimension_numbers<[1], [1], [0], [0], [0, 0, 1, 0], [], []>, transpose_lhs_hint = false} : vector<256x64xbf16>, vector<64x64xbf16>, vector<256x64xf32> -> vector<256x64xf32>
      %get3A_112 = arith.constant 0 : index
      %get3A_113 = arith.constant 0 : index
      %get3A_114 = vector.load %arg6[%get3A_112, %get3A_113] : memref<1x64xf32, #tpu.memory_space<vmem>>, vector<1x64xf32>
      %add3A_115 = vector.broadcast %get3A_114 : vector<1x64xf32> to vector<256x64xf32>
      %add3A_116 = arith.addf %dot_general3A_111, %add3A_115 : vector<256x64xf32>
      %convert_element_type3A_117 = arith.truncf %add3A_107 : vector<256x64xf32> to vector<256x64xbf16>
      %convert_element_type3A_118 = arith.truncf %get3A_48 : vector<64x64xf32> to vector<64x64xbf16>
      %dot_general3A_119 = arith.constant dense<0.000000e+00> : vector<256x64xf32>
      %dot_general3A_120 = tpu.matmul %convert_element_type3A_117, %convert_element_type3A_118, %dot_general3A_119 {dimension_numbers = #tpu.dot_dimension_numbers<[1], [1], [0], [0], [0, 0, 1, 0], [], []>, transpose_lhs_hint = false} : vector<256x64xbf16>, vector<64x64xbf16>, vector<256x64xf32> -> vector<256x64xf32>
      %get3A_121 = arith.constant 0 : index
      %get3A_122 = arith.constant 0 : index
      %get3A_123 = vector.load %arg8[%get3A_121, %get3A_122] : memref<1x64xf32, #tpu.memory_space<vmem>>, vector<1x64xf32>
      %add3A_124 = vector.broadcast %get3A_123 : vector<1x64xf32> to vector<256x64xf32>
      %add3A_125 = arith.addf %dot_general3A_120, %add3A_124 : vector<256x64xf32>
      %ge3A = arith.constant 0.000000e+00 : f32
      %ge3A_126 = vector.broadcast %ge3A : f32 to vector<256x64xf32>
      %ge3A_127 = arith.cmpf oge, %add3A_125, %ge3A_126 : vector<256x64xf32>
      %mul3A_128 = arith.constant 0.00999999977 : f32
      %mul3A_129 = vector.broadcast %mul3A_128 : f32 to vector<256x64xf32>
      %mul3A_130 = arith.mulf %mul3A_129, %add3A_125 : vector<256x64xf32>
      %select_n3A_131 = arith.select %ge3A_127, %add3A_125, %mul3A_130 : vector<256x64xi1>, vector<256x64xf32>
      %sub3A_132 = arith.subf %get3A_64, %add3A_116 : vector<256x64xf32>
      %convert_element_type3A_133 = arith.truncf %sub3A_132 : vector<256x64xf32> to vector<256x64xbf16>
      %convert_element_type3A_134 = arith.truncf %get3A_51 : vector<64x64xf32> to vector<64x64xbf16>
      %dot_general3A_135 = arith.constant dense<0.000000e+00> : vector<256x64xf32>
      %dot_general3A_136 = tpu.matmul %convert_element_type3A_133, %convert_element_type3A_134, %dot_general3A_135 {dimension_numbers = #tpu.dot_dimension_numbers<[1], [1], [0], [0], [0, 0, 1, 0], [], []>, transpose_lhs_hint = false} : vector<256x64xbf16>, vector<64x64xbf16>, vector<256x64xf32> -> vector<256x64xf32>
      %get3A_137 = arith.constant 0 : index
      %get3A_138 = arith.constant 0 : index
      %get3A_139 = vector.load %arg10[%get3A_137, %get3A_138] : memref<1x64xf32, #tpu.memory_space<vmem>>, vector<1x64xf32>
      %add3A_140 = vector.broadcast %get3A_139 : vector<1x64xf32> to vector<256x64xf32>
      %add3A_141 = arith.addf %dot_general3A_136, %add3A_140 : vector<256x64xf32>
      %ge3A_142 = arith.constant 0.000000e+00 : f32
      %ge3A_143 = vector.broadcast %ge3A_142 : f32 to vector<256x64xf32>
      %ge3A_144 = arith.cmpf oge, %add3A_141, %ge3A_143 : vector<256x64xf32>
      %mul3A_145 = arith.constant 0.00999999977 : f32
      %mul3A_146 = vector.broadcast %mul3A_145 : f32 to vector<256x64xf32>
      %mul3A_147 = arith.mulf %mul3A_146, %add3A_141 : vector<256x64xf32>
      %select_n3A_148 = arith.select %ge3A_144, %add3A_141, %mul3A_147 : vector<256x64xi1>, vector<256x64xf32>
      %mul3A_149 = arith.constant 256 : i32
      %mul3A_150 = arith.muli %scan3A_59, %mul3A_149 : i32
      %get3A_151 = arith.index_cast %mul3A_150 : i32 to index
      %get3A_152 = arith.constant 0 : index
      %get3A_153 = vector.load %arg2[%get3A_151, %get3A_152] : memref<4096x64xf32, #tpu.memory_space<vmem>>, vector<256x64xf32>
      %add3A_154 = arith.addf %get3A_153, %select_n3A_131 : vector<256x64xf32>
      %add3A_155 = arith.addf %add3A_154, %select_n3A_148 : vector<256x64xf32>
      %convert_element_type3A_156 = arith.truncf %add3A_155 : vector<256x64xf32> to vector<256x64xbf16>
      %convert_element_type3A_157 = arith.extf %convert_element_type3A_156 : vector<256x64xbf16> to vector<256x64xf32>
      %convert_element_type3A_158 = arith.truncf %get3A_54 : vector<1x64xf32> to vector<1x64xbf16>
      %convert_element_type3A_159 = arith.extf %convert_element_type3A_158 : vector<1x64xbf16> to vector<1x64xf32>
      %mul3A_160 = vector.broadcast %convert_element_type3A_159 : vector<1x64xf32> to vector<256x64xf32>
      %mul3A_161 = arith.mulf %convert_element_type3A_157, %mul3A_160 : vector<256x64xf32>
      %reduce_sum3A_162 = arith.constant dense<0.000000e+00> : vector<256xf32>
      %reduce_sum3A_163 = vector.multi_reduction <add>, %mul3A_161, %reduce_sum3A_162 [1] : vector<256x64xf32> to vector<256xf32>
      %broadcast_in_dim3A_164 = vector.shape_cast %reduce_sum3A_163 : vector<256xf32> to vector<256x1xf32>
      %mul3A_165 = arith.constant 256 : i32
      %mul3A_166 = arith.muli %scan3A_59, %mul3A_165 : i32
      %swap3A = arith.index_cast %mul3A_166 : i32 to index
      %swap3A_167 = arith.constant 0 : index
      %swap3A_168 = vector.load %arg12[%swap3A, %swap3A_167] : memref<4096x1xf32, #tpu.memory_space<vmem>>, vector<256x1xf32>
      tpu.vector_store %arg12[%swap3A, %swap3A_167], %broadcast_in_dim3A_164 {strides = array<i32>} : memref<4096x1xf32, #tpu.memory_space<vmem>>, vector<256x1xf32>,
    }
    %scan3A_58 = arith.constant 16 : i32
    return
  }
}

</mosaic_0001>

<sc_bundles>
// kernel: kernel.5.cloned.1.call-start
scs
__scs_entry_jumppad:
0x0: {  	(pc) =	sbr.rel $0x88, $3  }
0x1: {  	(tag) =	ssettag $0x0;
	lr =	simm.s32 $0x1  }
0x2: {  	[smem:$0x3F86] =	sst lr;
	_ =	strace $0xD0000000  }
0x3: {  	_ = 	snop  }
0x4: {  	_ = 	snop  }
0x5: {  	_ = 	snop  }
0x6: {  	_ = 	snop  }
0x7: {  	_ = 	snop  }
__scs_overlays_trampoline_lowered:
0x8: {  	[smem:$0x3F95] =	sst s0  }
0x9: {  	[smem:$0x3F96] =	sst s1  }
0xa: {  	[smem:$0x3F97] =	sst s2  }
0xb: {  	[smem:$0x3F98] =	sst s3  }
0xc: {  	[smem:$0x3F99] =	sst s4  }
0xd: {  	[smem:$0x3F9A] =	sst s5  }
0xe: {  	[smem:$0x3F9B] =	sst s6  }
0xf: {  	[smem:$0x3F9C] =	sst s7  }
0x10: {  	[smem:$0x3F9D] =	sst s8  }
0x11: {  	[smem:$0x3F9E] =	sst s9;
	s0 =	simm.s32 @!p0 $0x0  }
0x12: {  	s1 =	sld [smem:$0x3F84];
	s0 =	simm.s32 @p0 $0x1  }
0x13: {  	[smem:$0x3F9F] =	sst s0;
	s0 =	simm.s32 @!p1 $0x0  }
0x14: {  	s2 =	sld [smem:$0x3F83];
	s0 =	simm.s32 @p1 $0x1  }
0x15: {  	[smem:$0x3FA0] =	sst s0;
	s0 =	simm.s32 @!p2 $0x0  }
0x16: {  	s3 =	sld [smem:$0x3FDB];
	s0 =	simm.s32 @p2 $0x1  }
0x17: {  	s4 =	simm.s32 $0x1BF5;
	[smem:$0x3FA2] =	sst s0  }
0x18: {  	s0 =	sld [smem:$0x3F85];
	_ =	swait.ge [sflag:s4], $0x0  }
0x19: {  	s7 =	sld [smem:$0x3F86]  }
0x1a: {  	s8 =	sadd.s32 $0xFFFFE003, lr  }
0x1b: {  	s9 =	sadd.s32 $0xFFFFFEF7, lr;
	s5 =	simm.s32 $0xFFFFFFFF;
	p2 =	slt.u32 s8, $0xFFFFF086  }
0x1c: {  	p1 =	slt.u32 s9, $0xF7A;
	s5 =	simm.s32 @!p2 $0x0  }
0x1d: {  	s5 =	simm.s32 @p1 $0x1;
	p0 =	seq.s32 s7, s2  }
0x1e: {  	s7 =	smul.u32 @!p0 $0xF7A, s2;
	p2 =	seq.s32 @!p0 s5, $0x0  }
0x1f: {  	s9 =	smul.u32 $0xF7A, s1;
	s8 =	simm.s32 @!p0 $0x1BF5;
	p2 =	por !p2, p0  }
0x20: {  	[sflag:s8] =	ssyncset.s32 @!p0 $0xFFFFF086;
	s6 =	sadd.s32 @!p0 s3, s7;
	s7 =	simm.s32 @!p0 $0x108  }
0x21: {  	s3 =	sadd.s32 s3, s9;
	s6 =	sadd.s32 @!p0 $0x88, s6;
	s7 =	simm.s32 @p2 $0x1082  }
0x22: {  	[simem:s7], [sflag:s8] =	dma.local @!p0 [hbm:s6], $0xF7A  }
0x23: {  	s9 =	sor.u32 $0xD0000000, s2;
	s6 =	simm.s32 $0x108;
	_ =	swait.ge @!p0 [sflag:s8], $0x0  }
0x24: {  	s3 =	sadd.s32 $0x88, s3;
	s6 =	simm.s32 @!p1 $0x1082;
	[sflag:s4] =	ssyncset.s32 $0xFFFFF086  }
0x25: {  	[simem:s6], [sflag:s4] =	dma.local [hbm:s3], $0xF7A  }
0x26: {  	[smem:$0x3F86] =	sst s1;
	(tag) =	ssettag s2;
	_ =	strace s9  }
0x27: {  	s1 =	sld [smem:$0x3F96]  }
0x28: {  	s2 =	sld [smem:$0x3F97]  }
0x29: {  	s4 =	sld [smem:$0x3F99]  }
0x2a: {  	p0 =	seq.s32 s5, $0x0;
	s5 =	sld [smem:$0x3F9A]  }
0x2b: {  	s6 =	sld [smem:$0x3F9B]  }
0x2c: {  	s7 =	sld [smem:$0x3F9C]  }
0x2d: {  	s3 =	simm.s32 $0x108;
	s8 =	sld [smem:$0x3F9D]  }
0x2e: {  	s3 =	simm.s32 @!p0 $0x1082;
	s9 =	sld [smem:$0x3F9E]  }
0x2f: {  	lr =	sadd.s32 s0, s3;
	s0 =	sld [smem:$0x3F95]  }
0x30: {  	s3 =	sld [smem:$0x3F98]  }
0x31: {  	[smem:$0x3FA1] =	sst s10  }
0x32: {  	s10 =	sld [smem:$0x3F9F];
	_ =	sdelay $0x3  }
0x33: {  	p0 =	seq.s32 s10, $0x1;
	s10 =	sld [smem:$0x3FA1];
	_ =	sdelay $0x3  }
0x34: {  	[smem:$0x3FA1] =	sst s10  }
0x35: {  	s10 =	sld [smem:$0x3FA0];
	_ =	sdelay $0x3  }
0x36: {  	p1 =	seq.s32 s10, $0x1;
	s10 =	sld [smem:$0x3FA1];
	_ =	sdelay $0x3  }
0x37: {  	[smem:$0x3FA1] =	sst s10  }
0x38: {  	s10 =	sld [smem:$0x3FA2]  }
0x39: {  	_ = 	snop;
	(pc) =	sbr.ind lr, $3  }
0x3a: {  	_ = 	snop  }
0x3b: {  	_ = 	snop  }
0x3c: {  	p2 =	seq.s32 s10, $0x1;
	s10 =	sld [smem:$0x3FA1]  }
0x3d: {  	_ =	shalt  }
0x3e: {  	_ =	shalt  }
0x3f: {  	_ =	shalt  }
0x40: {  	_ =	shalt  }
0x41: {  	_ =	shalt  }
0x42: {  	_ =	shalt  }
0x43: {  	_ =	shalt  }
0x44: {  	_ =	shalt  }
0x45: {  	_ =	shalt  }
0x46: {  	_ =	shalt  }
0x47: {  	_ =	shalt  }
0x48: {  	_ =	shalt  }
0x49: {  	_ =	shalt  }
0x4a: {  	_ =	shalt  }
0x4b: {  	_ =	shalt  }
0x4c: {  	_ =	shalt  }
0x4d: {  	_ =	shalt  }
0x4e: {  	_ =	shalt  }
0x4f: {  	_ =	shalt  }
0x50: {  	_ =	shalt  }
0x51: {  	_ =	shalt  }
0x52: {  	_ =	shalt  }
0x53: {  	_ =	shalt  }
0x54: {  	_ =	shalt  }
0x55: {  	_ =	shalt  }
0x56: {  	_ =	shalt  }
0x57: {  	_ =	shalt  }
0x58: {  	_ =	shalt  }
0x59: {  	_ =	shalt  }
0x5a: {  	_ =	shalt  }
0x5b: {  	_ =	shalt  }
0x5c: {  	_ =	shalt  }
0x5d: {  	_ =	shalt  }
0x5e: {  	_ =	shalt  }
0x5f: {  	_ =	shalt  }
0x60: {  	_ =	shalt  }
0x61: {  	_ =	shalt  }
0x62: {  	_ =	shalt  }
0x63: {  	_ =	shalt  }
0x64: {  	_ =	shalt  }
0x65: {  	_ =	shalt  }
0x66: {  	_ =	shalt  }
0x67: {  	_ =	shalt  }
0x68: {  	_ =	shalt  }
0x69: {  	_ =	shalt  }
0x6a: {  	_ =	shalt  }
0x6b: {  	_ =	shalt  }
0x6c: {  	_ =	shalt  }
0x6d: {  	_ =	shalt  }
0x6e: {  	_ =	shalt  }
0x6f: {  	_ =	shalt  }
0x70: {  	_ =	shalt  }
0x71: {  	_ =	shalt  }
0x72: {  	_ =	shalt  }
0x73: {  	_ =	shalt  }
0x74: {  	_ =	shalt  }
0x75: {  	_ =	shalt  }
0x76: {  	_ =	shalt  }
0x77: {  	_ =	shalt  }
0x78: {  	_ =	shalt  }
0x79: {  	_ =	shalt  }
0x7a: {  	_ =	shalt  }
0x7b: {  	_ =	shalt  }
0x7c: {  	_ =	shalt  }
0x7d: {  	_ =	shalt  }
0x7e: {  	_ =	shalt  }
0x7f: {  	_ =	shalt  }
0x80: {  	_ =	shalt  }
0x81: {  	_ =	shalt  }
0x82: {  	_ =	shalt  }
0x83: {  	_ =	shalt  }
0x84: {  	_ =	shalt  }
0x85: {  	_ =	shalt  }
0x86: {  	_ =	shalt  }
0x87: {  	_ =	shalt  }
.Lfunc_end0:
.L_simem_size_0:
called_computation_lowered:
.L_overlay_start_0:
0x88: {  	s2 =	sld [smem:$0x3FD9]  }
0x89: {  	s3 =	sld [smem:$0x3FFE];
	_ =	sdelay $0x1  }
0x8a: {  	s1 =	srdreg.scid  }
0x8b: {  	s0 =	sand.u32 $0x1, s1  }
0x8c: {  	s16 =	sshll.u32 s0, $0xA;
	s2 =	sadd.s32 s3, s2  }
0x8d: {  	s2 =	sadd.s32 s2, s16  }
0x8e: {  	[smem:$0x3FAD] =	sst s2  }
0x8f: {  	_ = 	snop  }
0x90: {  	(tm) =	ssettm $0x1  }
0x91: {  	s17 =	sld [smem:$0x3FFB];
	_ =	sdelay $0x3  }
0x92: {  	_ =	strace s17  }
0x93: {  	s2 =	sld [smem:$0x3FFC];
	_ =	sdelay $0x3  }
0x94: {  	_ =	strace s2  }
0x95: {  	s2 =	sld [smem:$0x3FFD];
	_ =	sdelay $0x3  }
0x96: {  	_ =	strace s2  }
0x97: {  	_ =	strace $0x8FFFFFFF  }
0x98: {  	s18 =	sld [smem:$0x3FDB];
	_ =	sdelay $0x1  }
0x99: {  	s19 =	simm.s32 $_scs_section_size  }
0x9a: {  	s4 =	simm.s32 $_size__tile_overlayer_lowered;
	s5 =	simm.s32 $_tile_overlayer_lowered  }
0x9b: {  	s22 =	simm.s32 $0x1BFF;
	s21 =	sshll.u32 s5, $0x1;
	s2 =	sadd.s32 s19, s18  }
0x9c: {  	s6 =	simm.s32 $0x0;
	s20 =	sshll.u32 s4, $0x1;
	s4 =	sadd.s32 s21, s2  }
0x9d: {  	[timem:s6], [sflag:s22] =	dma.local [hbm:s4], s20  }
0x9e: {  	_ =	swait.ge [sflag:s22], s20  }
0x9f: {  	s3 =	ssub.s32 $0x0, s20;
	[sflag:s22] =	ssyncset.done $0x0  }
0xa0: {  	[sflag:s22] =	ssyncadd.s32 s3;
	_ =	sdelay $0x1  }
0xa1: {  	s23 =	simm.s32 $0x1B8B  }
0xa2: {  	_ =	swait.ge [sflag:s23], $0x1  }
0xa3: {  	[sflag:s23] =	ssyncset.done $0x0  }
0xa4: {  	s25 =	simm.s32 $0x1B8E;
	s24 =	sld [smem:$0x3FFE];
	[sflag:s23] =	ssyncadd.s32 $0xFFFFFFFF  }
0xa5: {  	s26 =	simm.s32 $execute0_lowered;
	[smem:$0x3FD2] =	sst s25  }
0xa6: {  	s4 =	sshll.u32 s26, $0x1;
	_ =	strace $0x80000046;
	[dreg:$0x1] =	wrdreg $0xFFFFFFFF  }
0xa7: {  	s28 =	simm.s32 $_size_execute0_lowered;
	s2 =	sadd.s32 s2, s4;
	[dreg:$0x0] =	wrdreg $0x0  }
0xa8: {  	s4 =	sshll.u32 s28, $0x1;
	[dreg:$0x2] =	wrdreg s2  }
0xa9: {  	[dreg:$0x3] =	wrdreg s4  }
0xaa: {  	[dreg:$0x4] =	wrdreg $0xC0  }
0xab: {  	_ =	task [dreg:s6], $0x5FFFF  }
0xac: {  	[dreg:$0x1] =	wrdreg $0xFFFFFFFF  }
0xad: {  	[dreg:$0x0] =	wrdreg $0x60  }
0xae: {  	[dreg:$0x2] =	wrdreg s24  }
0xaf: {  	[dreg:$0x3] =	wrdreg $0xC0800  }
0xb0: {  	[dreg:$0x4] =	wrdreg $0x9  }
0xb1: {  	_ =	task.clear_ibuf [dreg:s6], $0x5FFFF;
	_ =	strace $0x90000046  }
0xb2: {  	s29 =	simm.s32 $0x9;
	_ =	strace $0x80000048  }
0xb3: {  	_ =	swait.ge [sflag:s29], $0x1  }
0xb4: {  	[sflag:s29] =	ssyncadd.s32 $0xFFFFFFFF  }
0xb5: {  	_ =	strace $0x90000048  }
0xb6: {  	_ =	sfence  }
0xb7: {  	s30 =	sld [smem:$0x0];
	_ =	sdelay $0x2  }
0xb8: {  	s31 =	sshll.u32 s1, $0xD;
	s1 =	sshrl.u32 s1, $0x2  }
0xb9: {  	s3 =	sand.u32 $0x4000, s31;
	s1 =	sadd.s32 s1, s30  }
0xba: {  	s0 =	sor.u32 s3, s0;
	s1 =	sshll.u32 s1, $0x11  }
0xbb: {  	s0 =	sor.u32 s1, s0  }
0xbc: {  	s0 =	sadd.s32 $0x8F2B, s0  }
0xbd: {  	[sflag:s0] =	ssyncadd.remote.s32 $0x1  }
0xbe: {  	_ =	sfence.sel $0xFFFF  }
0xbf: {  	[dreg:$0x0] =	wrdreg $0xFFFFFFFF;
	(pc) =	sbr.abs _section_cstart, $3  }
0xc0: {  	[dreg:$0x1] =	wrdreg $0xFFFFFFFF  }
0xc1: {  	_ =	task.clear_ibuf [dreg:s6], $0x2FFFF;
	_ =	strace $0x9FFFFFFF  }
0xc2: {  	(tm) =	ssettm $0x7FFFFFFF  }
0xc3: {  	_ =	shalt  }
tec
execute0_lowered:
.L_overlay_start_1:
0x0: {  	(tag) =	ssettag $0x1  }
0x1: {  	s9 =	rddreg [dreg:$0x0]  }
0x2: {  	s2 =	rddreg [dreg:$0x1];
	s1 =	stileid.u32  }
0x3: {  	s0 =	rddreg [dreg:$0x2];
	s3 =	simm.s32 $0x0;
	s4 =	sshll.u32 s1, $0xC  }
0x4: {  	s6 =	simm.s32 $0x4080;
	[smem:$0x7FF] =	sst s3;
	s15 =	sadd.s32 s4, s9  }
0x5: {  	s5 =	simm.s32 $0x1;
	_ =	strace $0x80000047;
	s4 =	sadd.s32 $0x33800, s15  }
0x6: {  	[tilespmem:s6], [sflag:$0x1] =	stream.linear.gather [hbm4b:s4+s3], $0x8000, $0x38;
	[tilespmem:$0x14080] =	vst v63  }
0x7: {  	_ =	swait.ge [sflag:s5], $0x8000  }
0x8: {  	s7 =	srdreg.scid;
	s8 =	sshll.u32 s1, $0xF;
	[sflag:s5] =	ssyncset.done $0x0  }
0x9: {  	s16 =	sand.u32 $0x1, s7;
	s7 =	sadd.s32 s8, s2;
	[sflag:s5] =	ssyncadd.s32 $0xFFFF8000  }
0xa: {  	[spmem:s7] =	stream.linear.scatter [tilespmem:s6], [sflag:$0x1], $0x8000, $0x38;
	[tilespmem:$0x14080] =	vst v63  }
0xb: {  	s10 =	sshll.u32 s1, $0x7;
	s25 =	sshll.u32 s16, $0xB;
	_ =	swait.ge [sflag:s5], $0x8000  }
0xc: {  	s13 =	sor.u32 s10, s25;
	[sflag:s5] =	ssyncset.done $0x0  }
0xd: {  	s14 =	sadd.s32 $0x33200, s9;
	s8 =	sshrl.u32 s13, $0x3;
	[sflag:s5] =	ssyncadd.s32 $0xFFFF8000  }
0xe: {  	s8 =	sadd.s32 s14, s8;
	[bflag:$0x0] =	sbarrier.arrive $0xFFFF  }
0xf: {  	[tilespmem:s3], [sflag:$0x1] =	stream.linear.gather [hbm4b:s8+s3], $0x80, $0x38;
	[tilespmem:$0x14080] =	vst v63  }
0x10: {  	_ =	swait.ge [sflag:s5], $0x80  }
0x11: {  	s17 =	sadd.s32 $0x3200, s9;
	s26 =	sshll.u32 s13, $0x4;
	[sflag:s5] =	ssyncset.done $0x0  }
0x12: {  	s10 =	simm.s32 $0x80;
	s9 =	sadd.s32 s17, s26;
	[sflag:s5] =	ssyncadd.s32 $0xFFFFFF80  }
0x13: {  	[tilespmem:s10], [sflag:$0x1] =	stream.linear.gather [hbm4b:s9+s3], $0x4000, $0x38;
	[tilespmem:$0x14080] =	vst v63  }
0x14: {  	_ =	swait.ge [sflag:s5], $0x4000  }
0x15: {  	[sflag:s5] =	ssyncset.done $0x0  }
0x16: {  	[sflag:s5] =	ssyncadd.s32 $0xFFFFC000  }
0x17: {  	[spmem:s2] =	stream.indirect.scatter.add.f32 [tilespmem:s10], [sflag:$0x1], $0x80, s3, s10, $0xb8;
	[tilespmem:$0x14080] =	vst v63  }
0x18: {  	s12 =	sor.u32 $0x1000, s13;
	_ =	swait.ge [sflag:s5], $0x4000  }
0x19: {  	s11 =	sshrl.u32 s12, $0x3;
	[sflag:s5] =	ssyncset.done $0x0  }
0x1a: {  	s11 =	sadd.s32 s14, s11;
	[sflag:s5] =	ssyncadd.s32 $0xFFFFC000  }
0x1b: {  	[tilespmem:s3], [sflag:$0x1] =	stream.linear.gather [hbm4b:s11+s3], $0x80, $0x38;
	[tilespmem:$0x14080] =	vst v63  }
0x1c: {  	_ =	swait.ge [sflag:s5], $0x80  }
0x1d: {  	s12 =	sshll.u32 s12, $0x4;
	[sflag:s5] =	ssyncset.done $0x0  }
0x1e: {  	s12 =	sadd.s32 s17, s12;
	[sflag:s5] =	ssyncadd.s32 $0xFFFFFF80  }
0x1f: {  	[tilespmem:s10], [sflag:$0x1] =	stream.linear.gather [hbm4b:s12+s3], $0x4000, $0x38;
	[tilespmem:$0x14080] =	vst v63  }
0x20: {  	_ =	swait.ge [sflag:s5], $0x4000  }
0x21: {  	[sflag:s5] =	ssyncset.done $0x0  }
0x22: {  	[sflag:s5] =	ssyncadd.s32 $0xFFFFC000  }
0x23: {  	[spmem:s2] =	stream.indirect.scatter.add.f32 [tilespmem:s10], [sflag:$0x1], $0x80, s3, s10, $0xb8;
	[tilespmem:$0x14080] =	vst v63  }
0x24: {  	s18 =	sor.u32 $0x2000, s13;
	_ =	swait.ge [sflag:s5], $0x4000  }
0x25: {  	s13 =	sshrl.u32 s18, $0x3;
	[sflag:s5] =	ssyncset.done $0x0  }
0x26: {  	s13 =	sadd.s32 s14, s13;
	[sflag:s5] =	ssyncadd.s32 $0xFFFFC000  }
0x27: {  	[tilespmem:s3], [sflag:$0x1] =	stream.linear.gather [hbm4b:s13+s3], $0x80, $0x38;
	[tilespmem:$0x14080] =	vst v63  }
0x28: {  	_ =	swait.ge [sflag:s5], $0x80  }
0x29: {  	s28 =	sshll.u32 s18, $0x4;
	[sflag:s5] =	ssyncset.done $0x0  }
0x2a: {  	s14 =	sadd.s32 s17, s28;
	[sflag:s5] =	ssyncadd.s32 $0xFFFFFF80  }
0x2b: {  	[tilespmem:s10], [sflag:$0x1] =	stream.linear.gather [hbm4b:s14+s3], $0x4000, $0x38;
	[tilespmem:$0x14080] =	vst v63  }
0x2c: {  	_ =	swait.ge [sflag:s5], $0x4000  }
0x2d: {  	[sflag:s5] =	ssyncset.done $0x0  }
0x2e: {  	[sflag:s5] =	ssyncadd.s32 $0xFFFFC000  }
0x2f: {  	[spmem:s2] =	stream.indirect.scatter.add.f32 [tilespmem:s10], [sflag:$0x1], $0x80, s3, s10, $0xb8;
	[tilespmem:$0x14080] =	vst v63  }
0x30: {  	s29 =	ssub.s32 $0x2, s16;
	_ =	swait.ge [sflag:s5], $0x4000  }
0x31: {  	s30 =	sshrl.u32 s29, $0x1;
	[sflag:s5] =	ssyncset.done $0x0  }
0x32: {  	s17 =	ssub.s32 s29, s30;
	[sflag:s5] =	ssyncadd.s32 $0xFFFFC000  }
0x33: {  	s31 =	smax.u32 s17, $0x1;
	[bflag:$0x0] =	sbarrier.arrive $0xFFFF  }
0x34: {  	[tilespmem:s6], [sflag:$0x1] =	stream.linear.gather [spmem:s7], $0x8000, $0x38;
	[tilespmem:$0x14080] =	vst v63  }
0x35: {  	s16 =	sshll.u32 s16, $0x10;
	p0 =	sne.s32 s31, $0x1;
	_ =	swait.ge [sflag:s5], $0x8000  }
.Ltmp0:
0x36: {  	s15 =	sadd.s32 s16, s15;
	[sflag:s5] =	ssyncset.done $0x0;
	(pc) =	sbr.rel @!p0 .LBB2_2-.Ltmp0, $4  }
0x37: {  	s15 =	sadd.s32 $0x43800, s15;
	[sflag:s5] =	ssyncadd.s32 $0xFFFF8000  }
0x38: {  	[hbm4b:s15+s3] =	stream.linear.scatter [tilespmem:s6], [sflag:$0x1], $0x8000, $0x38;
	[tilespmem:$0x14080] =	vst v63  }
0x39: {  	_ =	swait.ge [sflag:s5], $0x8000  }
0x3a: {  	s16 =	sadd.s32 $0xFFFFFFFF, s31;
	[sflag:s5] =	ssyncset.done $0x0  }
.LBB2_1:
0x3b: {  	p0 =	sne.s32 s16, $0x1;
	s16 =	sadd.s32 $0xFFFFFFFF, s16;
	[sflag:s5] =	ssyncadd.s32 $0xFFFF8000  }
0x3c: {  	[tilespmem:s6], [sflag:$0x1] =	stream.linear.gather [hbm4b:s4+s3], $0x8000, $0x38;
	[tilespmem:$0x14080] =	vst v63  }
0x3d: {  	_ =	swait.ge [sflag:s5], $0x8000  }
0x3e: {  	[sflag:s5] =	ssyncset.done $0x0  }
0x3f: {  	[sflag:s5] =	ssyncadd.s32 $0xFFFF8000  }
0x40: {  	[spmem:s7] =	stream.linear.scatter [tilespmem:s6], [sflag:$0x1], $0x8000, $0x38;
	[tilespmem:$0x14080] =	vst v63  }
0x41: {  	_ =	swait.ge [sflag:s5], $0x8000  }
0x42: {  	[sflag:s5] =	ssyncset.done $0x0  }
0x43: {  	[sflag:s5] =	ssyncadd.s32 $0xFFFF8000  }
0x44: {  	[bflag:$0x0] =	sbarrier.arrive $0xFFFF  }
0x45: {  	[tilespmem:s3], [sflag:$0x1] =	stream.linear.gather [hbm4b:s8+s3], $0x80, $0x38;
	[tilespmem:$0x14080] =	vst v63  }
0x46: {  	_ =	swait.ge [sflag:s5], $0x80  }
0x47: {  	[sflag:s5] =	ssyncset.done $0x0  }
0x48: {  	[sflag:s5] =	ssyncadd.s32 $0xFFFFFF80  }
0x49: {  	[tilespmem:s10], [sflag:$0x1] =	stream.linear.gather [hbm4b:s9+s3], $0x4000, $0x38;
	[tilespmem:$0x14080] =	vst v63  }
0x4a: {  	_ =	swait.ge [sflag:s5], $0x4000  }
0x4b: {  	[sflag:s5] =	ssyncset.done $0x0  }
0x4c: {  	[sflag:s5] =	ssyncadd.s32 $0xFFFFC000  }
0x4d: {  	[spmem:s2] =	stream.indirect.scatter.add.f32 [tilespmem:s10], [sflag:$0x1], $0x80, s3, s10, $0xb8;
	[tilespmem:$0x14080] =	vst v63  }
0x4e: {  	_ =	swait.ge [sflag:s5], $0x4000  }
0x4f: {  	[sflag:s5] =	ssyncset.done $0x0  }
0x50: {  	[sflag:s5] =	ssyncadd.s32 $0xFFFFC000  }
0x51: {  	[tilespmem:s3], [sflag:$0x1] =	stream.linear.gather [hbm4b:s11+s3], $0x80, $0x38;
	[tilespmem:$0x14080] =	vst v63  }
0x52: {  	_ =	swait.ge [sflag:s5], $0x80  }
0x53: {  	[sflag:s5] =	ssyncset.done $0x0  }
0x54: {  	[sflag:s5] =	ssyncadd.s32 $0xFFFFFF80  }
0x55: {  	[tilespmem:s10], [sflag:$0x1] =	stream.linear.gather [hbm4b:s12+s3], $0x4000, $0x38;
	[tilespmem:$0x14080] =	vst v63  }
0x56: {  	_ =	swait.ge [sflag:s5], $0x4000  }
0x57: {  	[sflag:s5] =	ssyncset.done $0x0  }
0x58: {  	[sflag:s5] =	ssyncadd.s32 $0xFFFFC000  }
0x59: {  	[spmem:s2] =	stream.indirect.scatter.add.f32 [tilespmem:s10], [sflag:$0x1], $0x80, s3, s10, $0xb8;
	[tilespmem:$0x14080] =	vst v63  }
0x5a: {  	_ =	swait.ge [sflag:s5], $0x4000  }
0x5b: {  	[sflag:s5] =	ssyncset.done $0x0  }
0x5c: {  	[sflag:s5] =	ssyncadd.s32 $0xFFFFC000  }
0x5d: {  	[tilespmem:s3], [sflag:$0x1] =	stream.linear.gather [hbm4b:s13+s3], $0x80, $0x38;
	[tilespmem:$0x14080] =	vst v63  }
0x5e: {  	_ =	swait.ge [sflag:s5], $0x80  }
0x5f: {  	[sflag:s5] =	ssyncset.done $0x0  }
0x60: {  	[sflag:s5] =	ssyncadd.s32 $0xFFFFFF80  }
0x61: {  	[tilespmem:s10], [sflag:$0x1] =	stream.linear.gather [hbm4b:s14+s3], $0x4000, $0x38;
	[tilespmem:$0x14080] =	vst v63  }
0x62: {  	_ =	swait.ge [sflag:s5], $0x4000  }
0x63: {  	[sflag:s5] =	ssyncset.done $0x0  }
0x64: {  	[sflag:s5] =	ssyncadd.s32 $0xFFFFC000  }
0x65: {  	[spmem:s2] =	stream.indirect.scatter.add.f32 [tilespmem:s10], [sflag:$0x1], $0x80, s3, s10, $0xb8;
	[tilespmem:$0x14080] =	vst v63  }
0x66: {  	_ =	swait.ge [sflag:s5], $0x4000  }
0x67: {  	[sflag:s5] =	ssyncset.done $0x0  }
0x68: {  	[sflag:s5] =	ssyncadd.s32 $0xFFFFC000  }
0x69: {  	[bflag:$0x0] =	sbarrier.arrive $0xFFFF  }
0x6a: {  	[tilespmem:s6], [sflag:$0x1] =	stream.linear.gather [spmem:s7], $0x8000, $0x38;
	[tilespmem:$0x14080] =	vst v63  }
0x6b: {  	_ =	swait.ge [sflag:s5], $0x8000  }
.Ltmp1:
0x6c: {  	[sflag:s5] =	ssyncset.done $0x0;
	(pc) =	sbr.rel @p0 .LBB2_1-.Ltmp1, $4  }
0x6d: {  	[sflag:s5] =	ssyncadd.s32 $0xFFFF8000  }
0x6e: {  	[hbm4b:s15+s3] =	stream.linear.scatter [tilespmem:s6], [sflag:$0x1], $0x8000, $0x38;
	[tilespmem:$0x14080] =	vst v63  }
0x6f: {  	_ =	swait.ge [sflag:s5], $0x8000  }
0x70: {  	[sflag:s5] =	ssyncset.done $0x0  }
.LBB2_2:
0x71: {  	[sflag:s5] =	ssyncadd.s32 $0xFFFF8000  }
0x72: {  	_ =	sfence.sel $0x180000  }
0x73: {  	[bflag:$0x0] =	sbarrier.arrive $0xFFFF  }
0x74: {  	p0 =	sne.s32 s1, $0x0;
	_ =	strace $0x90000047  }
0x75: {  	s0 =	sadd.s32 @!p0 $0x100000, s0;
	[bflag:$0x2] =	sbarrier.arrive $0xFFFF  }
0x76: {  	[sflag:s0] =	ssyncadd.tile.s32 @!p0 $0x1;
	_ =	shalt  }
.Lfunc_end2:
_tile_overlayer_lowered:
.L_overlay_start_2:
0x77: {  	(tag) =	ssettag $0x2  }
0x78: {  	s0 =	rddreg [dreg:$0x0];
	s2 =	stileid.u32  }
0x79: {  	s1 =	rddreg [dreg:$0x1];
	p0 =	sne.s32 s2, $0x0  }
0x7a: {  	s3 =	rddreg [dreg:$0x2];
	[bflag:$0x3] =	sbarrier.arrive $0xFFFF;
	s2 =	simm.s32 @!p0 $0x1C01  }
0x7b: {  	[timem:s3], [sflag:s2] =	dma.local @!p0 [hbm:s0], s1  }
0x7c: {  	s0 =	simm.s32 @!p0 $0x1  }
0x7d: {  	_ =	swait.ge @!p0 [sflag:s0], s1  }
0x7e: {  	s1 =	ssub.s32 @!p0 $0x0, s1;
	[sflag:s0] =	ssyncset.done @!p0 $0x0  }
0x7f: {  	[sflag:s0] =	ssyncadd.s32 @!p0 s1  }
0x80: {  	[bflag:$0x3] =	sbarrier.arrive $0xFFFF  }
0x81: {  	_ =	shalt  }

</sc_bundles>
